<compile_context>
chip_gen: v7x
topology: tpu7x:2x2x1
jax: 0.10.2.dev20260603
libtpu: 0.0.44.dev20260713+nightly
codegen_flags: <defaults>
</compile_context>

<pallas_src>
import functools

import jax
import jax.numpy as jnp
from jax import lax
from jax.experimental import pallas as pl
from jax.experimental.pallas import tpu as pltpu
from jax.experimental.pallas import tpu_sc as plsc

NUM_HASHES = 4
CLUSTER = 128

SC_CORES = 2
SC_SUBCORES = 16
NW = SC_CORES * SC_SUBCORES

CH = 128


def _sc_mesh():
    return plsc.VectorSubcoreMesh(
        core_axis_name="c", subcore_axis_name="s",
        num_cores=SC_CORES, num_subcores=SC_SUBCORES)


def _wid():
    return lax.axis_index("s") * SC_CORES + lax.axis_index("c")


def _gather_sorted(qf, kf, vf, qidx, kidx):
    total, d = qf.shape[0] * NUM_HASHES, qf.shape[1]
    rows_per_w = total // NW
    nch = rows_per_w // CH

    def body(qf_h, kf_h, vf_h, qidx_h, kidx_h, sq_h, sk_h, sv_h,
             iq_v, ik_v, qr0, kr0, vr0, qr1, kr1, vr1,
             sg0, sg1, so0, so1):
        base0 = _wid() * rows_per_w
        pltpu.sync_copy(qidx_h.at[pl.ds(base0, rows_per_w)], iq_v)
        pltpu.sync_copy(kidx_h.at[pl.ds(base0, rows_per_w)], ik_v)

        def start_gather(c, bufs, sem):
            qr, kr, vr = bufs
            sl = pl.ds(c * CH, CH)
            pltpu.async_copy(qf_h.at[iq_v.at[sl]], qr, sem)
            pltpu.async_copy(kf_h.at[ik_v.at[sl]], kr, sem)
            pltpu.async_copy(vf_h.at[ik_v.at[sl]], vr, sem)

        def wait_gather(c, bufs, sem):
            qr, kr, vr = bufs
            sl = pl.ds(c * CH, CH)
            pltpu.make_async_copy(qf_h.at[iq_v.at[sl]], qr, sem).wait()
            pltpu.make_async_copy(kf_h.at[ik_v.at[sl]], kr, sem).wait()
            pltpu.make_async_copy(vf_h.at[ik_v.at[sl]], vr, sem).wait()

        def start_out(c, bufs, sem):
            qr, kr, vr = bufs
            sl = pl.ds(base0 + c * CH, CH)
            pltpu.async_copy(qr, sq_h.at[sl], sem)
            pltpu.async_copy(kr, sk_h.at[sl], sem)
            pltpu.async_copy(vr, sv_h.at[sl], sem)

        def wait_out(c, bufs, sem):
            qr, kr, vr = bufs
            sl = pl.ds(base0 + c * CH, CH)
            pltpu.make_async_copy(qr, sq_h.at[sl], sem).wait()
            pltpu.make_async_copy(kr, sk_h.at[sl], sem).wait()
            pltpu.make_async_copy(vr, sv_h.at[sl], sem).wait()

        bufs0 = (qr0, kr0, vr0)
        bufs1 = (qr1, kr1, vr1)
        start_gather(0, bufs0, sg0)

        def pair(t, carry):
            c0 = 2 * t

            @pl.when(t >= 1)
            def _():
                wait_out(c0 - 1, bufs1, so1)
            start_gather(c0 + 1, bufs1, sg1)
            wait_gather(c0, bufs0, sg0)
            start_out(c0, bufs0, so0)

            @pl.when(2 * t + 2 < nch)
            def _():
                wait_out(c0, bufs0, so0)
                start_gather(c0 + 2, bufs0, sg0)
            wait_gather(c0 + 1, bufs1, sg1)
            start_out(c0 + 1, bufs1, so1)
            return carry

        lax.fori_loop(0, nch // 2, pair, 0)
        wait_out(nch - 2, bufs0, so0)
        wait_out(nch - 1, bufs1, so1)

    out_t = jax.ShapeDtypeStruct((total, d), jnp.float32)
    row_t = pltpu.VMEM((CH, d), jnp.float32)
    fn = pl.kernel(
        body,
        out_type=(out_t, out_t, out_t),
        mesh=_sc_mesh(),
        compiler_params=pltpu.CompilerParams(use_tc_tiling_on_sc=False),
        scratch_types=[
            pltpu.VMEM((rows_per_w,), jnp.int32),
            pltpu.VMEM((rows_per_w,), jnp.int32),
            row_t, row_t, row_t, row_t, row_t, row_t,
            pltpu.SemaphoreType.DMA,
            pltpu.SemaphoreType.DMA,
            pltpu.SemaphoreType.DMA,
            pltpu.SemaphoreType.DMA,
        ],
    )
    return fn(qf, kf, vf, qidx, kidx)


def _deinterleave(blk, d):
    return jnp.concatenate([blk[..., :d], blk[..., d:]], axis=1)


def _attn_body(sq_ref, sk_ref, sv_ref, so_ref, lse_ref):
    d = sq_ref.shape[-1] // 2
    c2 = sq_ref.shape[1]
    qs = _deinterleave(sq_ref[...], d)
    ks = _deinterleave(sk_ref[...], d)
    vs = _deinterleave(sv_ref[...], d)
    s = lax.dot_general(qs, ks, (((2,), (2,)), ((0,), (0,))),
                        preferred_element_type=jnp.float32)
    m = jnp.max(s, axis=2, keepdims=True)
    p = jnp.exp(s - m)
    den = jnp.sum(p, axis=2, keepdims=True)
    o = lax.dot_general(p, vs, (((2,), (1,)), ((0,), (0,))),
                        preferred_element_type=jnp.float32)
    o = o / den
    so_ref[...] = jnp.concatenate([o[:, :c2, :], o[:, c2:, :]], axis=2)
    lse_ref[...] = (m + jnp.log(den))[:, :, 0]


def _cluster_attention(sq, sk, sv):
    nclusters, c2, d2 = sq.shape
    CB = 16
    grid = (nclusters // CB,)
    blk = pl.BlockSpec((CB, c2, d2), lambda i: (i, 0, 0))
    lse_blk = pl.BlockSpec((CB, 2 * c2), lambda i: (i, 0))
    so, lse = pl.pallas_call(
        _attn_body,
        grid=grid,
        in_specs=[blk, blk, blk],
        out_specs=[blk, lse_blk],
        out_shape=[
            jax.ShapeDtypeStruct((nclusters, c2, d2), jnp.float32),
            jax.ShapeDtypeStruct((nclusters, 2 * c2), jnp.float32),
        ],
    )(sq, sk, sv)
    return so, lse


def _unsort(so_flat, lse_flat, qpos_flat, n):
    total, d = so_flat.shape
    segs = total // n
    segs_per_w = segs // NW

    def body(so_h, lse_h, qpos_h, oun_h, logits_h,
             qpos_v, lse_v, inv_v, gidx_v, log_v, rows_v, rows2_v,
             sem, sem1, so_sem, so_sem1):
        w = _wid()

        def seg(t, carry):
            s = w * segs_per_w + t
            seg_base = s * n
            pltpu.sync_copy(qpos_h.at[pl.ds(seg_base, n)], qpos_v)
            pltpu.sync_copy(lse_h.at[pl.ds(seg_base, n)], lse_v)

            def inv_chunk(i, c2):
                idx = qpos_v[pl.ds(i * 16, 16)]
                vals = lax.iota(jnp.int32, 16) + i * 16
                plsc.store_scatter(inv_v, [idx], vals)
                return c2

            lax.fori_loop(0, n // 16, inv_chunk, 0)

            def g_chunk(i, c2):
                g = inv_v[pl.ds(i * 16, 16)]
                low = g & 127
                stored = (g - low) + (low >> 1) + ((g & 1) << 6)
                log_v[pl.ds(i * 16, 16)] = plsc.load_gather(lse_v, [stored])
                gidx_v[pl.ds(i * 16, 16)] = g + seg_base
                return c2

            lax.fori_loop(0, n // 16, g_chunk, 0)
            pltpu.sync_copy(log_v, logits_h.at[pl.ds(seg_base, n)])

            def start_g(c, buf, sm):
                pltpu.async_copy(
                    so_h.at[gidx_v.at[pl.ds(c * CH, CH)]], buf, sm)

            def wait_g(c, buf, sm):
                pltpu.make_async_copy(
                    so_h.at[gidx_v.at[pl.ds(c * CH, CH)]], buf, sm).wait()

            def start_o(c, buf, sm):
                pltpu.async_copy(buf, oun_h.at[pl.ds(seg_base + c * CH, CH)], sm)

            def wait_o(c, buf, sm):
                pltpu.make_async_copy(
                    buf, oun_h.at[pl.ds(seg_base + c * CH, CH)], sm).wait()

            nrc = n // CH
            start_g(0, rows_v, sem)

            def rpair(u, c2):
                c = 2 * u

                @pl.when(u >= 1)
                def _():
                    wait_o(c - 1, rows2_v, so_sem1)
                start_g(c + 1, rows2_v, sem1)
                wait_g(c, rows_v, sem)
                start_o(c, rows_v, so_sem)

                @pl.when(2 * u + 2 < nrc)
                def _():
                    wait_o(c, rows_v, so_sem)
                    start_g(c + 2, rows_v, sem)
                wait_g(c + 1, rows2_v, sem1)
                start_o(c + 1, rows2_v, so_sem1)
                return c2

            lax.fori_loop(0, nrc // 2, rpair, 0)
            wait_o(nrc - 2, rows_v, so_sem)
            wait_o(nrc - 1, rows2_v, so_sem1)
            return carry

        lax.fori_loop(0, segs_per_w, seg, 0)

    fn = pl.kernel(
        body,
        out_type=(
            jax.ShapeDtypeStruct((total, d), jnp.float32),
            jax.ShapeDtypeStruct((total,), jnp.float32),
        ),
        mesh=_sc_mesh(),
        compiler_params=pltpu.CompilerParams(
            use_tc_tiling_on_sc=False, needs_layout_passes=False),
        scratch_types=[
            pltpu.VMEM((n,), jnp.int32),
            pltpu.VMEM((n,), jnp.float32),
            pltpu.VMEM((n,), jnp.int32),
            pltpu.VMEM((n,), jnp.int32),
            pltpu.VMEM((n,), jnp.float32),
            pltpu.VMEM((CH, d), jnp.float32),
            pltpu.VMEM((CH, d), jnp.float32),
            pltpu.SemaphoreType.DMA,
            pltpu.SemaphoreType.DMA,
            pltpu.SemaphoreType.DMA,
            pltpu.SemaphoreType.DMA,
        ],
    )
    return fn(so_flat, lse_flat, qpos_flat)


def _combine_body(lg_ref, o_ref, out_ref):
    l = lg_ref[...]
    m = jnp.max(l, axis=0, keepdims=True)
    p = jnp.exp(l - m)
    w = p / jnp.sum(p, axis=0, keepdims=True)
    out_ref[...] = jnp.sum(o_ref[...] * w[:, :, None], axis=0)


def _combine(o_un, logits):
    h, rows, d = o_un.shape
    R = 512
    out = pl.pallas_call(
        _combine_body,
        grid=(rows // R,),
        in_specs=[
            pl.BlockSpec((h, R), lambda i: (0, i)),
            pl.BlockSpec((h, R, d), lambda i: (0, i, 0)),
        ],
        out_specs=pl.BlockSpec((R, d), lambda i: (i, 0)),
        out_shape=jax.ShapeDtypeStruct((rows, d), jnp.float32),
    )(logits, o_un)
    return out


def _hash_positions(queries, keys, alpha, beta):
    q_norms = jnp.linalg.norm(queries, axis=-1, keepdims=True)
    k_norms = jnp.linalg.norm(keys, axis=-1, keepdims=True)
    MX = jnp.max(q_norms, axis=1, keepdims=True)
    MY = jnp.max(k_norms, axis=1, keepdims=True)
    M = MX + MY
    q_ext = jnp.sqrt(jnp.maximum(M ** 2 - q_norms ** 2, 0.0))
    k_ext = jnp.sqrt(jnp.maximum(M ** 2 - k_norms ** 2, 0.0))
    Q = jnp.concatenate([queries, q_ext, jnp.zeros_like(q_ext)], axis=-1)
    K = jnp.concatenate([keys, jnp.zeros_like(k_ext), k_ext], axis=-1)
    q_hashed = jnp.transpose(Q @ alpha + beta, (2, 0, 1))
    k_hashed = jnp.transpose(K @ alpha + beta, (2, 0, 1))
    q_positions = jnp.argsort(q_hashed, axis=-1).astype(jnp.int32)
    k_positions = jnp.argsort(k_hashed, axis=-1).astype(jnp.int32)
    return q_positions, k_positions


def kernel(queries, keys, values, alpha, beta):
    bs, n, d = queries.shape

    q_positions, k_positions = _hash_positions(queries, keys, alpha, beta)

    boff = (jnp.arange(bs, dtype=jnp.int32) * n)[None, :, None]
    qidx = (q_positions + boff).reshape(-1)
    kidx = (k_positions + boff).reshape(-1)

    sq, sk, sv = _gather_sorted(
        queries.reshape(bs * n, d), keys.reshape(bs * n, d),
        values.reshape(bs * n, d), qidx, kidx)

    pv = (-1, CLUSTER // 2, 2 * d)
    so, lse = _cluster_attention(
        sq.reshape(pv), sk.reshape(pv), sv.reshape(pv))

    o_un, logits = _unsort(
        so.reshape(-1, d), lse.reshape(-1), q_positions.reshape(-1), n)

    out = _combine(
        o_un.reshape(NUM_HASHES, bs * n, d),
        logits.reshape(NUM_HASHES, bs * n))
    return out.reshape(bs, n, d)

# --- scband reference (transcript-rebuilt; emitter-appended) ---
"""Pipeline reference for scband-smyrf-wrapper-32298154066200 (READ-ONLY COPY).

The authoritative reference and input builder live on the scoring server;
editing this copy changes nothing except your own understanding.
"""

import jax, jax.numpy as jnp
import numpy as np

N_HASHES = 4
Q_CLUSTER = 128
K_CLUSTER = 128
R = 1.0


def setup_inputs(seed: int = 0):
    key = jax.random.key(seed)
    k1, k2, k3, k4, k5 = jax.random.split(key, 5)
    B, N, D = 32, 4096, 64
    queries = jax.random.normal(k1, (B, N, D), dtype=jnp.float32)
    keys = jax.random.normal(k2, (B, N, D), dtype=jnp.float32)
    values = jax.random.normal(k3, (B, N, D), dtype=jnp.float32)
    # E2LSH random projection params (created inside OurSmyrf in torch, under no_grad);
    # operate on XBOX+ transformed vectors of dim D+2
    alpha = jax.random.normal(k4, (D + 2, N_HASHES), dtype=jnp.float32)
    beta = jax.random.uniform(k5, (1, N_HASHES), dtype=jnp.float32, minval=0.0, maxval=R)
    return {"queries": queries, "keys": keys, "values": values, "alpha": alpha, "beta": beta}


def _xbox_plus(queries, keys):
    q_norms = jnp.linalg.norm(queries, axis=-1, keepdims=True)
    k_norms = jnp.linalg.norm(keys, axis=-1, keepdims=True)
    MX = jnp.max(q_norms, axis=1, keepdims=True)
    MY = jnp.max(k_norms, axis=1, keepdims=True)
    M = MX + MY
    q_ext = jnp.sqrt(jnp.maximum(M ** 2 - q_norms ** 2, 0.0))
    k_ext = jnp.sqrt(jnp.maximum(M ** 2 - k_norms ** 2, 0.0))
    zq = jnp.zeros_like(q_ext)
    zk = jnp.zeros_like(k_ext)
    Q = jnp.concatenate([queries, q_ext, zq], axis=-1)
    K = jnp.concatenate([keys, zk, k_ext], axis=-1)
    return Q, K


def _lsh_positions(queries, keys, alpha, beta):
    # E2LSH on asymmetrically transformed q/k; positions = argsort of hash values
    Q, K = _xbox_plus(queries, keys)
    q_hashed = jnp.transpose(Q @ alpha + beta, (2, 0, 1))  # (n_hashes, bs, N)
    k_hashed = jnp.transpose(K @ alpha + beta, (2, 0, 1))
    q_positions = jnp.argsort(q_hashed, axis=-1)
    k_positions = jnp.argsort(k_hashed, axis=-1)
    return q_positions, k_positions


def _attend(queries, keys, values, q_positions, k_positions):
    bs, q_seqlen, dim = queries.shape
    k_seqlen = keys.shape[1]
    v_dim = values.shape[-1]

    q_rev_positions = jnp.argsort(q_positions, axis=-1)
    q_offset = jnp.arange(bs)[:, None] * q_seqlen
    k_offset = jnp.arange(bs)[:, None] * k_seqlen
    q_flat = (q_positions + q_offset).reshape(-1)
    k_flat = (k_positions + k_offset).reshape(-1)

    # gather into hash-sorted order, split into clusters
    s_queries = jnp.take(queries.reshape(-1, dim), q_flat, axis=0).reshape(-1, Q_CLUSTER, dim)
    s_keys = jnp.take(keys.reshape(-1, dim), k_flat, axis=0).reshape(-1, K_CLUSTER, dim)
    s_values = jnp.take(values.reshape(-1, v_dim), k_flat, axis=0).reshape(-1, K_CLUSTER, v_dim)

    # dense attention within each cluster (norm_factor is hard-set to 1 in torch forward)
    inner = jnp.einsum('bqd,bkd->bqk', s_queries, s_keys)
    dots_logsumexp = jax.scipy.special.logsumexp(inner, axis=-1, keepdims=True)
    dots = jnp.exp(inner - dots_logsumexp)
    bo = jnp.einsum('bqk,bkd->bqd', dots, s_values).reshape(N_HASHES, bs, q_seqlen, v_dim)

    # undo sort
    q_offset2 = jnp.arange(bs * N_HASHES)[:, None] * q_seqlen
    q_rev_flat = (q_rev_positions.reshape(-1, q_seqlen) + q_offset2).reshape(-1)
    o = jnp.take(bo.reshape(-1, v_dim), q_rev_flat, axis=0).reshape(N_HASHES, bs, q_seqlen, v_dim)

    slogits = dots_logsumexp.reshape(N_HASHES, bs, q_seqlen)
    logits = jnp.take_along_axis(slogits, q_rev_positions, axis=2)

    # combine hash rounds weighted by softmax denominators
    probs = jnp.exp(logits - jax.scipy.special.logsumexp(logits, axis=0, keepdims=True))
    out = jnp.sum(o * probs[..., None], axis=0)
    return out


def reference(queries, keys, values, alpha, beta):
    q_positions, k_positions = _lsh_positions(queries, keys, alpha, beta)
    return _attend(queries, keys, values, q_positions, k_positions)

if __name__ == "__main__":
    import jax
    _d = setup_inputs()
    print(jax.jit(kernel)(*tuple(_d.values())))

</pallas_src>

<mosaic_0001>
#map = affine_map<(d0, d1) -> (0, 0)>
#map1 = affine_map<(d0, d1) -> (0)>
module attributes {stable_mosaic.version = 14 : i64} {
  func.func @body(%arg0: i32, %arg1: i32, %arg2: memref<524288x64xf32, #tpu.memory_space<hbm>>, %arg3: memref<524288xf32, #tpu.memory_space<hbm>>, %arg4: memref<524288xi32, #tpu.memory_space<hbm>>, %arg5: memref<524288x64xf32, #tpu.memory_space<hbm>>, %arg6: memref<524288xf32, #tpu.memory_space<hbm>>, %arg7: memref<4096xi32, #tpu.memory_space<vmem>>, %arg8: memref<4096xf32, #tpu.memory_space<vmem>>, %arg9: memref<4096xi32, #tpu.memory_space<vmem>>, %arg10: memref<4096xi32, #tpu.memory_space<vmem>>, %arg11: memref<4096xf32, #tpu.memory_space<vmem>>, %arg12: memref<128x64xf32, #tpu.memory_space<vmem>>, %arg13: memref<128x64xf32, #tpu.memory_space<vmem>>, %arg14: memref<!tpu.dma_semaphore, #tpu.memory_space<semaphore_mem>>, %arg15: memref<!tpu.dma_semaphore, #tpu.memory_space<semaphore_mem>>, %arg16: memref<!tpu.dma_semaphore, #tpu.memory_space<semaphore_mem>>, %arg17: memref<!tpu.dma_semaphore, #tpu.memory_space<semaphore_mem>>) attributes {dimension_semantics = [#tpu.dimension_semantics<core_parallel>, #tpu.dimension_semantics<subcore_parallel>], iteration_bounds = array<i64: 2, 16>, scalar_prefetch = 0 : i64, scratch_operands = 11 : i64, tpu.core_type = #tpu.core_type<sc_vector_subcore>, window_params = [{transform_indices = #map}, {transform_indices = #map1}, {transform_indices = #map1}, {transform_indices = #map}, {transform_indices = #map1}]} {
    %mul3A = arith.constant 2 : i32
    %mul3A_0 = arith.muli %arg1, %mul3A : i32
    %add3A = arith.addi %mul3A_0, %arg0 : i32
    %scan3A = arith.constant 0 : i32
    %scan3A_1 = arith.constant 0 : i32
    %scan3A_2 = arith.constant 4 : i32
    %scan3A_3 = arith.addi %scan3A_1, %scan3A_2 : i32
    %scan3A_4 = arith.constant 1 : i32
    scf.for %scan3A_6 = %scan3A_1 to %scan3A_3 step %scan3A_4  : i32 {
      %mul3A_7 = arith.constant 4 : i32
      %mul3A_8 = arith.muli %add3A, %mul3A_7 : i32
      %add3A_9 = arith.addi %mul3A_8, %scan3A_6 : i32
      %mul3A_10 = arith.constant 4096 : i32
      %mul3A_11 = arith.muli %add3A_9, %mul3A_10 : i32
      "tpu.region"() ({
        %run_scoped3A = tpu.sem_alloc : memref<!tpu.dma_semaphore, #tpu.memory_space<semaphore_mem>>
        %dma_start3A_45 = tpu.memref_slice %arg4[%mul3A_11] : memref<524288xi32, #tpu.memory_space<hbm>> -> memref<4096xi32, #tpu.memory_space<hbm>>
        %dma_start3A_46 = tpu.memref_slice %arg4[%mul3A_11] : memref<524288xi32, #tpu.memory_space<hbm>> -> memref<4096xi32, #tpu.memory_space<hbm>>
        tpu.enqueue_dma source(%dma_start3A_46 : memref<4096xi32, #tpu.memory_space<hbm>>) target(%arg7 : memref<4096xi32, #tpu.memory_space<vmem>>) target_semaphore(%run_scoped3A : memref<!tpu.dma_semaphore, #tpu.memory_space<semaphore_mem>>)
        %dma_wait3A_47 = tpu.memref_slice %arg4[%mul3A_11] : memref<524288xi32, #tpu.memory_space<hbm>> -> memref<4096xi32, #tpu.memory_space<hbm>>
        %dma_wait3A_48 = tpu.memref_slice %arg4[%mul3A_11] : memref<524288xi32, #tpu.memory_space<hbm>> -> memref<4096xi32, #tpu.memory_space<hbm>>
        tpu.wait_dma2 semaphore(%run_scoped3A : memref<!tpu.dma_semaphore, #tpu.memory_space<semaphore_mem>>) src(%dma_wait3A_48 : memref<4096xi32, #tpu.memory_space<hbm>>) dst(%arg7 : memref<4096xi32, #tpu.memory_space<vmem>>)
        tpu.yield
      }) : () -> ()
      "tpu.region"() ({
        %run_scoped3A = tpu.sem_alloc : memref<!tpu.dma_semaphore, #tpu.memory_space<semaphore_mem>>
        %dma_start3A_45 = tpu.memref_slice %arg3[%mul3A_11] : memref<524288xf32, #tpu.memory_space<hbm>> -> memref<4096xf32, #tpu.memory_space<hbm>>
        %dma_start3A_46 = tpu.memref_slice %arg3[%mul3A_11] : memref<524288xf32, #tpu.memory_space<hbm>> -> memref<4096xf32, #tpu.memory_space<hbm>>
        tpu.enqueue_dma source(%dma_start3A_46 : memref<4096xf32, #tpu.memory_space<hbm>>) target(%arg8 : memref<4096xf32, #tpu.memory_space<vmem>>) target_semaphore(%run_scoped3A : memref<!tpu.dma_semaphore, #tpu.memory_space<semaphore_mem>>)
        %dma_wait3A_47 = tpu.memref_slice %arg3[%mul3A_11] : memref<524288xf32, #tpu.memory_space<hbm>> -> memref<4096xf32, #tpu.memory_space<hbm>>
        %dma_wait3A_48 = tpu.memref_slice %arg3[%mul3A_11] : memref<524288xf32, #tpu.memory_space<hbm>> -> memref<4096xf32, #tpu.memory_space<hbm>>
        tpu.wait_dma2 semaphore(%run_scoped3A : memref<!tpu.dma_semaphore, #tpu.memory_space<semaphore_mem>>) src(%dma_wait3A_48 : memref<4096xf32, #tpu.memory_space<hbm>>) dst(%arg8 : memref<4096xf32, #tpu.memory_space<vmem>>)
        tpu.yield
      }) : () -> ()
      %scan3A_12 = arith.constant 0 : i32
      %scan3A_13 = arith.constant 0 : i32
      %scan3A_14 = arith.constant 256 : i32
      %scan3A_15 = arith.addi %scan3A_13, %scan3A_14 : i32
      %scan3A_16 = arith.constant 1 : i32
      scf.for %scan3A_45 = %scan3A_13 to %scan3A_15 step %scan3A_16  : i32 {
        %mul3A_46 = arith.constant 16 : i32
        %mul3A_47 = arith.muli %scan3A_45, %mul3A_46 : i32
        %get3A = arith.index_cast %mul3A_47 : i32 to index
        %get3A_48 = tpu.vector_load %arg7[%get3A] {strides = array<i32>} : memref<4096xi32, #tpu.memory_space<vmem>>, vector<16xi32>,
        %iota3A = tpu.iota {dimensions = array<i32: 0>} : vector<16xi32>
        %mul3A_49 = arith.constant 16 : i32
        %mul3A_50 = arith.muli %scan3A_45, %mul3A_49 : i32
        %add3A_51 = vector.broadcast %mul3A_50 : i32 to vector<16xi32>
        %add3A_52 = arith.addi %iota3A, %add3A_51 : vector<16xi32>
        tpu.vector_store_idx %arg9[%get3A_48], %add3A_52 : memref<4096xi32, #tpu.memory_space<vmem>>[vector<16xi32>], vector<16xi32>,
      }
      %scan3A_17 = arith.constant 256 : i32
      %scan3A_18 = arith.constant 0 : i32
      %scan3A_19 = arith.constant 0 : i32
      %scan3A_20 = arith.constant 256 : i32
      %scan3A_21 = arith.addi %scan3A_19, %scan3A_20 : i32
      %scan3A_22 = arith.constant 1 : i32
      scf.for %scan3A_45 = %scan3A_19 to %scan3A_21 step %scan3A_22  : i32 {
        %mul3A_46 = arith.constant 16 : i32
        %mul3A_47 = arith.muli %scan3A_45, %mul3A_46 : i32
        %get3A = arith.index_cast %mul3A_47 : i32 to index
        %get3A_48 = tpu.vector_load %arg9[%get3A] {strides = array<i32>} : memref<4096xi32, #tpu.memory_space<vmem>>, vector<16xi32>,
        %and3A = arith.constant 127 : i32
        %and3A_49 = vector.broadcast %and3A : i32 to vector<16xi32>
        %and3A_50 = arith.andi %get3A_48, %and3A_49 : vector<16xi32>
        %sub3A = arith.subi %get3A_48, %and3A_50 : vector<16xi32>
        %shift_right_arithmetic3A = arith.constant 1 : i32
        %shift_right_arithmetic3A_51 = vector.broadcast %shift_right_arithmetic3A : i32 to vector<16xi32>
        %shift_right_arithmetic3A_52 = arith.shrsi %and3A_50, %shift_right_arithmetic3A_51 : vector<16xi32>
        %add3A_53 = arith.addi %sub3A, %shift_right_arithmetic3A_52 : vector<16xi32>
        %and3A_54 = arith.constant 1 : i32
        %and3A_55 = vector.broadcast %and3A_54 : i32 to vector<16xi32>
        %and3A_56 = arith.andi %get3A_48, %and3A_55 : vector<16xi32>
        %shift_left3A = arith.constant 6 : i32
        %shift_left3A_57 = vector.broadcast %shift_left3A : i32 to vector<16xi32>
        %shift_left3A_58 = arith.shli %and3A_56, %shift_left3A_57 : vector<16xi32>
        %add3A_59 = arith.addi %add3A_53, %shift_left3A_58 : vector<16xi32>
        %gather3A = tpu.vector_load_idx %arg8[%add3A_59] : memref<4096xf32, #tpu.memory_space<vmem>>[vector<16xi32>], vector<16xf32>,
        %mul3A_60 = arith.constant 16 : i32
        %mul3A_61 = arith.muli %scan3A_45, %mul3A_60 : i32
        %swap3A = arith.index_cast %mul3A_61 : i32 to index
        %swap3A_62 = tpu.vector_load %arg11[%swap3A] {strides = array<i32>} : memref<4096xf32, #tpu.memory_space<vmem>>, vector<16xf32>,
        tpu.vector_store %arg11[%swap3A], %gather3A {strides = array<i32>} : memref<4096xf32, #tpu.memory_space<vmem>>, vector<16xf32>,
        %add3A_63 = vector.broadcast %mul3A_11 : i32 to vector<16xi32>
        %add3A_64 = arith.addi %get3A_48, %add3A_63 : vector<16xi32>
        %mul3A_65 = arith.constant 16 : i32
        %mul3A_66 = arith.muli %scan3A_45, %mul3A_65 : i32
        %swap3A_67 = arith.index_cast %mul3A_66 : i32 to index
        %swap3A_68 = tpu.vector_load %arg10[%swap3A_67] {strides = array<i32>} : memref<4096xi32, #tpu.memory_space<vmem>>, vector<16xi32>,
        tpu.vector_store %arg10[%swap3A_67], %add3A_64 {strides = array<i32>} : memref<4096xi32, #tpu.memory_space<vmem>>, vector<16xi32>,
      }
      %scan3A_23 = arith.constant 256 : i32
      "tpu.region"() ({
        %run_scoped3A = tpu.sem_alloc : memref<!tpu.dma_semaphore, #tpu.memory_space<semaphore_mem>>
        %dma_start3A_45 = tpu.memref_slice %arg6[%mul3A_11] : memref<524288xf32, #tpu.memory_space<hbm>> -> memref<4096xf32, #tpu.memory_space<hbm>>
        %dma_start3A_46 = tpu.memref_slice %arg6[%mul3A_11] : memref<524288xf32, #tpu.memory_space<hbm>> -> memref<4096xf32, #tpu.memory_space<hbm>>
        tpu.enqueue_dma source(%arg11 : memref<4096xf32, #tpu.memory_space<vmem>>) target(%dma_start3A_46 : memref<4096xf32, #tpu.memory_space<hbm>>) target_semaphore(%run_scoped3A : memref<!tpu.dma_semaphore, #tpu.memory_space<semaphore_mem>>)
        %dma_wait3A_47 = tpu.memref_slice %arg6[%mul3A_11] : memref<524288xf32, #tpu.memory_space<hbm>> -> memref<4096xf32, #tpu.memory_space<hbm>>
        %dma_wait3A_48 = tpu.memref_slice %arg6[%mul3A_11] : memref<524288xf32, #tpu.memory_space<hbm>> -> memref<4096xf32, #tpu.memory_space<hbm>>
        tpu.wait_dma2 semaphore(%run_scoped3A : memref<!tpu.dma_semaphore, #tpu.memory_space<semaphore_mem>>) src(%arg11 : memref<4096xf32, #tpu.memory_space<vmem>>) dst(%dma_wait3A_48 : memref<4096xf32, #tpu.memory_space<hbm>>)
        tpu.yield
      }) : () -> ()
      %dma_start3A = arith.constant 0 : i32
      %dma_start3A_24 = tpu.memref_slice %arg10[%dma_start3A] : memref<4096xi32, #tpu.memory_space<vmem>> -> memref<128xi32, #tpu.memory_space<vmem>>
      %dma_start3A_25 = arith.constant 0 : i32
      %dma_start3A_26 = arith.constant 0 : i32
      %dma_start3A_27 = tpu.memref_slice %arg2[%dma_start3A_25, %dma_start3A_26] : memref<524288x64xf32, #tpu.memory_space<hbm>> -> memref<524288x64xf32, #tpu.memory_space<hbm>>
      tpu.enqueue_indirect_dma source(%dma_start3A_27 : memref<524288x64xf32, #tpu.memory_space<hbm>>) target(%arg12 : memref<128x64xf32, #tpu.memory_space<vmem>>) offsets(%dma_start3A_24 : memref<128xi32, #tpu.memory_space<vmem>>) semaphore(%arg14 : memref<!tpu.dma_semaphore, #tpu.memory_space<semaphore_mem>>)
      %scan3A_28 = arith.constant 0 : i32
      %scan3A_29 = arith.constant 0 : i32
      %scan3A_30 = arith.constant 16 : i32
      %scan3A_31 = arith.addi %scan3A_29, %scan3A_30 : i32
      %scan3A_32 = arith.constant 1 : i32
      scf.for %scan3A_45 = %scan3A_29 to %scan3A_31 step %scan3A_32  : i32 {
        %mul3A_46 = arith.constant 2 : i32
        %mul3A_47 = arith.muli %mul3A_46, %scan3A_45 : i32
        %ge3A = arith.constant 1 : i32
        %ge3A_48 = arith.cmpi sge, %scan3A_45, %ge3A : i32
        %convert_element_type3A = arith.extui %ge3A_48 : i1 to i32
        %cond3A = arith.constant 0 : i32
        %cond3A_49 = arith.cmpi ne, %convert_element_type3A, %cond3A : i32
        scf.if %cond3A_49 {
          %sub3A = arith.constant 1 : i32
          %sub3A_96 = arith.subi %mul3A_47, %sub3A : i32
          %mul3A_97 = arith.constant 128 : i32
          %mul3A_98 = arith.muli %sub3A_96, %mul3A_97 : i32
          %add3A_99 = arith.addi %mul3A_11, %mul3A_98 : i32
          %dma_wait3A_100 = arith.constant 0 : i32
          %dma_wait3A_101 = tpu.memref_slice %arg5[%add3A_99, %dma_wait3A_100] : memref<524288x64xf32, #tpu.memory_space<hbm>> -> memref<128x64xf32, #tpu.memory_space<hbm>>
          %dma_wait3A_102 = arith.constant 0 : i32
          %dma_wait3A_103 = tpu.memref_slice %arg5[%add3A_99, %dma_wait3A_102] : memref<524288x64xf32, #tpu.memory_space<hbm>> -> memref<128x64xf32, #tpu.memory_space<hbm>>
          tpu.wait_dma2 semaphore(%arg17 : memref<!tpu.dma_semaphore, #tpu.memory_space<semaphore_mem>>) src(%arg13 : memref<128x64xf32, #tpu.memory_space<vmem>>) dst(%dma_wait3A_103 : memref<128x64xf32, #tpu.memory_space<hbm>>)
        } else {
        }
        %add3A_50 = arith.constant 1 : i32
        %add3A_51 = arith.addi %mul3A_47, %add3A_50 : i32
        %mul3A_52 = arith.constant 128 : i32
        %mul3A_53 = arith.muli %add3A_51, %mul3A_52 : i32
        %dma_start3A_54 = tpu.memref_slice %arg10[%mul3A_53] : memref<4096xi32, #tpu.memory_space<vmem>> -> memref<128xi32, #tpu.memory_space<vmem>>
        %dma_start3A_55 = arith.constant 0 : i32
        %dma_start3A_56 = arith.constant 0 : i32
        %dma_start3A_57 = tpu.memref_slice %arg2[%dma_start3A_55, %dma_start3A_56] : memref<524288x64xf32, #tpu.memory_space<hbm>> -> memref<524288x64xf32, #tpu.memory_space<hbm>>
        tpu.enqueue_indirect_dma source(%dma_start3A_57 : memref<524288x64xf32, #tpu.memory_space<hbm>>) target(%arg13 : memref<128x64xf32, #tpu.memory_space<vmem>>) offsets(%dma_start3A_54 : memref<128xi32, #tpu.memory_space<vmem>>) semaphore(%arg15 : memref<!tpu.dma_semaphore, #tpu.memory_space<semaphore_mem>>)
        %mul3A_58 = arith.constant 128 : i32
        %mul3A_59 = arith.muli %mul3A_47, %mul3A_58 : i32
        %dma_wait3A_60 = tpu.memref_slice %arg10[%mul3A_59] : memref<4096xi32, #tpu.memory_space<vmem>> -> memref<128xi32, #tpu.memory_space<vmem>>
        %dma_wait3A_61 = arith.constant 0 : i32
        %dma_wait3A_62 = arith.constant 0 : i32
        %dma_wait3A_63 = tpu.memref_slice %arg2[%dma_wait3A_61, %dma_wait3A_62] : memref<524288x64xf32, #tpu.memory_space<hbm>> -> memref<524288x64xf32, #tpu.memory_space<hbm>>
        tpu.wait_indirect_dma semaphore(%arg14 : memref<!tpu.dma_semaphore, #tpu.memory_space<semaphore_mem>>) src(%dma_wait3A_63 : memref<524288x64xf32, #tpu.memory_space<hbm>>) dst(%arg12 : memref<128x64xf32, #tpu.memory_space<vmem>>)
        %mul3A_64 = arith.constant 128 : i32
        %mul3A_65 = arith.muli %mul3A_47, %mul3A_64 : i32
        %add3A_66 = arith.addi %mul3A_11, %mul3A_65 : i32
        %dma_start3A_67 = arith.constant 0 : i32
        %dma_start3A_68 = tpu.memref_slice %arg5[%add3A_66, %dma_start3A_67] : memref<524288x64xf32, #tpu.memory_space<hbm>> -> memref<128x64xf32, #tpu.memory_space<hbm>>
        %dma_start3A_69 = arith.constant 0 : i32
        %dma_start3A_70 = tpu.memref_slice %arg5[%add3A_66, %dma_start3A_69] : memref<524288x64xf32, #tpu.memory_space<hbm>> -> memref<128x64xf32, #tpu.memory_space<hbm>>
        tpu.enqueue_dma source(%arg12 : memref<128x64xf32, #tpu.memory_space<vmem>>) target(%dma_start3A_70 : memref<128x64xf32, #tpu.memory_space<hbm>>) target_semaphore(%arg16 : memref<!tpu.dma_semaphore, #tpu.memory_space<semaphore_mem>>)
        %mul3A_71 = arith.constant 2 : i32
        %mul3A_72 = arith.muli %mul3A_71, %scan3A_45 : i32
        %add3A_73 = arith.constant 2 : i32
        %add3A_74 = arith.addi %mul3A_72, %add3A_73 : i32
        %lt3A = arith.constant 32 : i32
        %lt3A_75 = arith.cmpi slt, %add3A_74, %lt3A : i32
        %convert_element_type3A_76 = arith.extui %lt3A_75 : i1 to i32
        %cond3A_77 = arith.constant 0 : i32
        %cond3A_78 = arith.cmpi ne, %convert_element_type3A_76, %cond3A_77 : i32
        scf.if %cond3A_78 {
          %mul3A_96 = arith.constant 128 : i32
          %mul3A_97 = arith.muli %mul3A_47, %mul3A_96 : i32
          %add3A_98 = arith.addi %mul3A_11, %mul3A_97 : i32
          %dma_wait3A_99 = arith.constant 0 : i32
          %dma_wait3A_100 = tpu.memref_slice %arg5[%add3A_98, %dma_wait3A_99] : memref<524288x64xf32, #tpu.memory_space<hbm>> -> memref<128x64xf32, #tpu.memory_space<hbm>>
          %dma_wait3A_101 = arith.constant 0 : i32
          %dma_wait3A_102 = tpu.memref_slice %arg5[%add3A_98, %dma_wait3A_101] : memref<524288x64xf32, #tpu.memory_space<hbm>> -> memref<128x64xf32, #tpu.memory_space<hbm>>
          tpu.wait_dma2 semaphore(%arg16 : memref<!tpu.dma_semaphore, #tpu.memory_space<semaphore_mem>>) src(%arg12 : memref<128x64xf32, #tpu.memory_space<vmem>>) dst(%dma_wait3A_102 : memref<128x64xf32, #tpu.memory_space<hbm>>)
          %add3A_103 = arith.constant 2 : i32
          %add3A_104 = arith.addi %mul3A_47, %add3A_103 : i32
          %mul3A_105 = arith.constant 128 : i32
          %mul3A_106 = arith.muli %add3A_104, %mul3A_105 : i32
          %dma_start3A_107 = tpu.memref_slice %arg10[%mul3A_106] : memref<4096xi32, #tpu.memory_space<vmem>> -> memref<128xi32, #tpu.memory_space<vmem>>
          %dma_start3A_108 = arith.constant 0 : i32
          %dma_start3A_109 = arith.constant 0 : i32
          %dma_start3A_110 = tpu.memref_slice %arg2[%dma_start3A_108, %dma_start3A_109] : memref<524288x64xf32, #tpu.memory_space<hbm>> -> memref<524288x64xf32, #tpu.memory_space<hbm>>
          tpu.enqueue_indirect_dma source(%dma_start3A_110 : memref<524288x64xf32, #tpu.memory_space<hbm>>) target(%arg12 : memref<128x64xf32, #tpu.memory_space<vmem>>) offsets(%dma_start3A_107 : memref<128xi32, #tpu.memory_space<vmem>>) semaphore(%arg14 : memref<!tpu.dma_semaphore, #tpu.memory_space<semaphore_mem>>)
        } else {
        }
        %add3A_79 = arith.constant 1 : i32
        %add3A_80 = arith.addi %mul3A_47, %add3A_79 : i32
        %mul3A_81 = arith.constant 128 : i32
        %mul3A_82 = arith.muli %add3A_80, %mul3A_81 : i32
        %dma_wait3A_83 = tpu.memref_slice %arg10[%mul3A_82] : memref<4096xi32, #tpu.memory_space<vmem>> -> memref<128xi32, #tpu.memory_space<vmem>>
        %dma_wait3A_84 = arith.constant 0 : i32
        %dma_wait3A_85 = arith.constant 0 : i32
        %dma_wait3A_86 = tpu.memref_slice %arg2[%dma_wait3A_84, %dma_wait3A_85] : memref<524288x64xf32, #tpu.memory_space<hbm>> -> memref<524288x64xf32, #tpu.memory_space<hbm>>
        tpu.wait_indirect_dma semaphore(%arg15 : memref<!tpu.dma_semaphore, #tpu.memory_space<semaphore_mem>>) src(%dma_wait3A_86 : memref<524288x64xf32, #tpu.memory_space<hbm>>) dst(%arg13 : memref<128x64xf32, #tpu.memory_space<vmem>>)
        %add3A_87 = arith.constant 1 : i32
        %add3A_88 = arith.addi %mul3A_47, %add3A_87 : i32
        %mul3A_89 = arith.constant 128 : i32
        %mul3A_90 = arith.muli %add3A_88, %mul3A_89 : i32
        %add3A_91 = arith.addi %mul3A_11, %mul3A_90 : i32
        %dma_start3A_92 = arith.constant 0 : i32
        %dma_start3A_93 = tpu.memref_slice %arg5[%add3A_91, %dma_start3A_92] : memref<524288x64xf32, #tpu.memory_space<hbm>> -> memref<128x64xf32, #tpu.memory_space<hbm>>
        %dma_start3A_94 = arith.constant 0 : i32
        %dma_start3A_95 = tpu.memref_slice %arg5[%add3A_91, %dma_start3A_94] : memref<524288x64xf32, #tpu.memory_space<hbm>> -> memref<128x64xf32, #tpu.memory_space<hbm>>
        tpu.enqueue_dma source(%arg13 : memref<128x64xf32, #tpu.memory_space<vmem>>) target(%dma_start3A_95 : memref<128x64xf32, #tpu.memory_space<hbm>>) target_semaphore(%arg17 : memref<!tpu.dma_semaphore, #tpu.memory_space<semaphore_mem>>)
      }
      %scan3A_33 = arith.constant 16 : i32
      %add3A_34 = arith.constant 3840 : i32
      %add3A_35 = arith.addi %mul3A_11, %add3A_34 : i32
      %dma_wait3A = arith.constant 0 : i32
      %dma_wait3A_36 = tpu.memref_slice %arg5[%add3A_35, %dma_wait3A] : memref<524288x64xf32, #tpu.memory_space<hbm>> -> memref<128x64xf32, #tpu.memory_space<hbm>>
      %dma_wait3A_37 = arith.constant 0 : i32
      %dma_wait3A_38 = tpu.memref_slice %arg5[%add3A_35, %dma_wait3A_37] : memref<524288x64xf32, #tpu.memory_space<hbm>> -> memref<128x64xf32, #tpu.memory_space<hbm>>
      tpu.wait_dma2 semaphore(%arg16 : memref<!tpu.dma_semaphore, #tpu.memory_space<semaphore_mem>>) src(%arg12 : memref<128x64xf32, #tpu.memory_space<vmem>>) dst(%dma_wait3A_38 : memref<128x64xf32, #tpu.memory_space<hbm>>)
      %add3A_39 = arith.constant 3968 : i32
      %add3A_40 = arith.addi %mul3A_11, %add3A_39 : i32
      %dma_wait3A_41 = arith.constant 0 : i32
      %dma_wait3A_42 = tpu.memref_slice %arg5[%add3A_40, %dma_wait3A_41] : memref<524288x64xf32, #tpu.memory_space<hbm>> -> memref<128x64xf32, #tpu.memory_space<hbm>>
      %dma_wait3A_43 = arith.constant 0 : i32
      %dma_wait3A_44 = tpu.memref_slice %arg5[%add3A_40, %dma_wait3A_43] : memref<524288x64xf32, #tpu.memory_space<hbm>> -> memref<128x64xf32, #tpu.memory_space<hbm>>
      tpu.wait_dma2 semaphore(%arg17 : memref<!tpu.dma_semaphore, #tpu.memory_space<semaphore_mem>>) src(%arg13 : memref<128x64xf32, #tpu.memory_space<vmem>>) dst(%dma_wait3A_44 : memref<128x64xf32, #tpu.memory_space<hbm>>)
    }
    %scan3A_5 = arith.constant 4 : i32
    return
  }
}

#map = affine_map<(d0, d1) -> (0, 0)>
#map1 = affine_map<(d0, d1) -> (0)>
module attributes {stable_mosaic.version = 14 : i64} {
  func.func @body(%arg0: i32, %arg1: i32, %arg2: memref<131072x64xf32, #tpu.memory_space<hbm>>, %arg3: memref<131072x64xf32, #tpu.memory_space<hbm>>, %arg4: memref<131072x64xf32, #tpu.memory_space<hbm>>, %arg5: memref<524288xi32, #tpu.memory_space<hbm>>, %arg6: memref<524288xi32, #tpu.memory_space<hbm>>, %arg7: memref<524288x64xf32, #tpu.memory_space<hbm>>, %arg8: memref<524288x64xf32, #tpu.memory_space<hbm>>, %arg9: memref<524288x64xf32, #tpu.memory_space<hbm>>, %arg10: memref<16384xi32, #tpu.memory_space<vmem>>, %arg11: memref<16384xi32, #tpu.memory_space<vmem>>, %arg12: memref<128x64xf32, #tpu.memory_space<vmem>>, %arg13: memref<128x64xf32, #tpu.memory_space<vmem>>, %arg14: memref<128x64xf32, #tpu.memory_space<vmem>>, %arg15: memref<128x64xf32, #tpu.memory_space<vmem>>, %arg16: memref<128x64xf32, #tpu.memory_space<vmem>>, %arg17: memref<128x64xf32, #tpu.memory_space<vmem>>, %arg18: memref<!tpu.dma_semaphore, #tpu.memory_space<semaphore_mem>>, %arg19: memref<!tpu.dma_semaphore, #tpu.memory_space<semaphore_mem>>, %arg20: memref<!tpu.dma_semaphore, #tpu.memory_space<semaphore_mem>>, %arg21: memref<!tpu.dma_semaphore, #tpu.memory_space<semaphore_mem>>) attributes {dimension_semantics = [#tpu.dimension_semantics<core_parallel>, #tpu.dimension_semantics<subcore_parallel>], iteration_bounds = array<i64: 2, 16>, scalar_prefetch = 0 : i64, scratch_operands = 12 : i64, tpu.core_type = #tpu.core_type<sc_vector_subcore>, window_params = [{transform_indices = #map}, {transform_indices = #map}, {transform_indices = #map}, {transform_indices = #map1}, {transform_indices = #map1}, {transform_indices = #map}, {transform_indices = #map}, {transform_indices = #map}]} {
    %mul3A = arith.constant 2 : i32
    %mul3A_0 = arith.muli %arg1, %mul3A : i32
    %add3A = arith.addi %mul3A_0, %arg0 : i32
    %mul3A_1 = arith.constant 16384 : i32
    %mul3A_2 = arith.muli %add3A, %mul3A_1 : i32
    "tpu.region"() ({
      %run_scoped3A = tpu.sem_alloc : memref<!tpu.dma_semaphore, #tpu.memory_space<semaphore_mem>>
      %dma_start3A_49 = tpu.memref_slice %arg5[%mul3A_2] : memref<524288xi32, #tpu.memory_space<hbm>> -> memref<16384xi32, #tpu.memory_space<hbm>>
      %dma_start3A_50 = tpu.memref_slice %arg5[%mul3A_2] : memref<524288xi32, #tpu.memory_space<hbm>> -> memref<16384xi32, #tpu.memory_space<hbm>>
      tpu.enqueue_dma source(%dma_start3A_50 : memref<16384xi32, #tpu.memory_space<hbm>>) target(%arg10 : memref<16384xi32, #tpu.memory_space<vmem>>) target_semaphore(%run_scoped3A : memref<!tpu.dma_semaphore, #tpu.memory_space<semaphore_mem>>)
      %dma_wait3A_51 = tpu.memref_slice %arg5[%mul3A_2] : memref<524288xi32, #tpu.memory_space<hbm>> -> memref<16384xi32, #tpu.memory_space<hbm>>
      %dma_wait3A_52 = tpu.memref_slice %arg5[%mul3A_2] : memref<524288xi32, #tpu.memory_space<hbm>> -> memref<16384xi32, #tpu.memory_space<hbm>>
      tpu.wait_dma2 semaphore(%run_scoped3A : memref<!tpu.dma_semaphore, #tpu.memory_space<semaphore_mem>>) src(%dma_wait3A_52 : memref<16384xi32, #tpu.memory_space<hbm>>) dst(%arg10 : memref<16384xi32, #tpu.memory_space<vmem>>)
      tpu.yield
    }) : () -> ()
    "tpu.region"() ({
      %run_scoped3A = tpu.sem_alloc : memref<!tpu.dma_semaphore, #tpu.memory_space<semaphore_mem>>
      %dma_start3A_49 = tpu.memref_slice %arg6[%mul3A_2] : memref<524288xi32, #tpu.memory_space<hbm>> -> memref<16384xi32, #tpu.memory_space<hbm>>
      %dma_start3A_50 = tpu.memref_slice %arg6[%mul3A_2] : memref<524288xi32, #tpu.memory_space<hbm>> -> memref<16384xi32, #tpu.memory_space<hbm>>
      tpu.enqueue_dma source(%dma_start3A_50 : memref<16384xi32, #tpu.memory_space<hbm>>) target(%arg11 : memref<16384xi32, #tpu.memory_space<vmem>>) target_semaphore(%run_scoped3A : memref<!tpu.dma_semaphore, #tpu.memory_space<semaphore_mem>>)
      %dma_wait3A_51 = tpu.memref_slice %arg6[%mul3A_2] : memref<524288xi32, #tpu.memory_space<hbm>> -> memref<16384xi32, #tpu.memory_space<hbm>>
      %dma_wait3A_52 = tpu.memref_slice %arg6[%mul3A_2] : memref<524288xi32, #tpu.memory_space<hbm>> -> memref<16384xi32, #tpu.memory_space<hbm>>
      tpu.wait_dma2 semaphore(%run_scoped3A : memref<!tpu.dma_semaphore, #tpu.memory_space<semaphore_mem>>) src(%dma_wait3A_52 : memref<16384xi32, #tpu.memory_space<hbm>>) dst(%arg11 : memref<16384xi32, #tpu.memory_space<vmem>>)
      tpu.yield
    }) : () -> ()
    %dma_start3A = arith.constant 0 : i32
    %dma_start3A_3 = tpu.memref_slice %arg10[%dma_start3A] : memref<16384xi32, #tpu.memory_space<vmem>> -> memref<128xi32, #tpu.memory_space<vmem>>
    %dma_start3A_4 = arith.constant 0 : i32
    %dma_start3A_5 = arith.constant 0 : i32
    %dma_start3A_6 = tpu.memref_slice %arg2[%dma_start3A_4, %dma_start3A_5] : memref<131072x64xf32, #tpu.memory_space<hbm>> -> memref<131072x64xf32, #tpu.memory_space<hbm>>
    tpu.enqueue_indirect_dma source(%dma_start3A_6 : memref<131072x64xf32, #tpu.memory_space<hbm>>) target(%arg12 : memref<128x64xf32, #tpu.memory_space<vmem>>) offsets(%dma_start3A_3 : memref<128xi32, #tpu.memory_space<vmem>>) semaphore(%arg18 : memref<!tpu.dma_semaphore, #tpu.memory_space<semaphore_mem>>)
    %dma_start3A_7 = arith.constant 0 : i32
    %dma_start3A_8 = tpu.memref_slice %arg11[%dma_start3A_7] : memref<16384xi32, #tpu.memory_space<vmem>> -> memref<128xi32, #tpu.memory_space<vmem>>
    %dma_start3A_9 = arith.constant 0 : i32
    %dma_start3A_10 = arith.constant 0 : i32
    %dma_start3A_11 = tpu.memref_slice %arg3[%dma_start3A_9, %dma_start3A_10] : memref<131072x64xf32, #tpu.memory_space<hbm>> -> memref<131072x64xf32, #tpu.memory_space<hbm>>
    tpu.enqueue_indirect_dma source(%dma_start3A_11 : memref<131072x64xf32, #tpu.memory_space<hbm>>) target(%arg13 : memref<128x64xf32, #tpu.memory_space<vmem>>) offsets(%dma_start3A_8 : memref<128xi32, #tpu.memory_space<vmem>>) semaphore(%arg18 : memref<!tpu.dma_semaphore, #tpu.memory_space<semaphore_mem>>)
    %dma_start3A_12 = arith.constant 0 : i32
    %dma_start3A_13 = tpu.memref_slice %arg11[%dma_start3A_12] : memref<16384xi32, #tpu.memory_space<vmem>> -> memref<128xi32, #tpu.memory_space<vmem>>
    %dma_start3A_14 = arith.constant 0 : i32
    %dma_start3A_15 = arith.constant 0 : i32
    %dma_start3A_16 = tpu.memref_slice %arg4[%dma_start3A_14, %dma_start3A_15] : memref<131072x64xf32, #tpu.memory_space<hbm>> -> memref<131072x64xf32, #tpu.memory_space<hbm>>
    tpu.enqueue_indirect_dma source(%dma_start3A_16 : memref<131072x64xf32, #tpu.memory_space<hbm>>) target(%arg14 : memref<128x64xf32, #tpu.memory_space<vmem>>) offsets(%dma_start3A_13 : memref<128xi32, #tpu.memory_space<vmem>>) semaphore(%arg18 : memref<!tpu.dma_semaphore, #tpu.memory_space<semaphore_mem>>)
    %scan3A = arith.constant 0 : i32
    %scan3A_17 = arith.constant 0 : i32
    %scan3A_18 = arith.constant 64 : i32
    %scan3A_19 = arith.addi %scan3A_17, %scan3A_18 : i32
    %scan3A_20 = arith.constant 1 : i32
    scf.for %scan3A_49 = %scan3A_17 to %scan3A_19 step %scan3A_20  : i32 {
      %mul3A_50 = arith.constant 2 : i32
      %mul3A_51 = arith.muli %mul3A_50, %scan3A_49 : i32
      %ge3A = arith.constant 1 : i32
      %ge3A_52 = arith.cmpi sge, %scan3A_49, %ge3A : i32
      %convert_element_type3A = arith.extui %ge3A_52 : i1 to i32
      %cond3A = arith.constant 0 : i32
      %cond3A_53 = arith.cmpi ne, %convert_element_type3A, %cond3A : i32
      scf.if %cond3A_53 {
        %sub3A = arith.constant 1 : i32
        %sub3A_140 = arith.subi %mul3A_51, %sub3A : i32
        %mul3A_141 = arith.constant 128 : i32
        %mul3A_142 = arith.muli %sub3A_140, %mul3A_141 : i32
        %add3A_143 = arith.addi %mul3A_2, %mul3A_142 : i32
        %dma_wait3A_144 = arith.constant 0 : i32
        %dma_wait3A_145 = tpu.memref_slice %arg7[%add3A_143, %dma_wait3A_144] : memref<524288x64xf32, #tpu.memory_space<hbm>> -> memref<128x64xf32, #tpu.memory_space<hbm>>
        %dma_wait3A_146 = arith.constant 0 : i32
        %dma_wait3A_147 = tpu.memref_slice %arg7[%add3A_143, %dma_wait3A_146] : memref<524288x64xf32, #tpu.memory_space<hbm>> -> memref<128x64xf32, #tpu.memory_space<hbm>>
        tpu.wait_dma2 semaphore(%arg21 : memref<!tpu.dma_semaphore, #tpu.memory_space<semaphore_mem>>) src(%arg15 : memref<128x64xf32, #tpu.memory_space<vmem>>) dst(%dma_wait3A_147 : memref<128x64xf32, #tpu.memory_space<hbm>>)
        %dma_wait3A_148 = arith.constant 0 : i32
        %dma_wait3A_149 = tpu.memref_slice %arg8[%add3A_143, %dma_wait3A_148] : memref<524288x64xf32, #tpu.memory_space<hbm>> -> memref<128x64xf32, #tpu.memory_space<hbm>>
        %dma_wait3A_150 = arith.constant 0 : i32
        %dma_wait3A_151 = tpu.memref_slice %arg8[%add3A_143, %dma_wait3A_150] : memref<524288x64xf32, #tpu.memory_space<hbm>> -> memref<128x64xf32, #tpu.memory_space<hbm>>
        tpu.wait_dma2 semaphore(%arg21 : memref<!tpu.dma_semaphore, #tpu.memory_space<semaphore_mem>>) src(%arg16 : memref<128x64xf32, #tpu.memory_space<vmem>>) dst(%dma_wait3A_151 : memref<128x64xf32, #tpu.memory_space<hbm>>)
        %dma_wait3A_152 = arith.constant 0 : i32
        %dma_wait3A_153 = tpu.memref_slice %arg9[%add3A_143, %dma_wait3A_152] : memref<524288x64xf32, #tpu.memory_space<hbm>> -> memref<128x64xf32, #tpu.memory_space<hbm>>
        %dma_wait3A_154 = arith.constant 0 : i32
        %dma_wait3A_155 = tpu.memref_slice %arg9[%add3A_143, %dma_wait3A_154] : memref<524288x64xf32, #tpu.memory_space<hbm>> -> memref<128x64xf32, #tpu.memory_space<hbm>>
        tpu.wait_dma2 semaphore(%arg21 : memref<!tpu.dma_semaphore, #tpu.memory_space<semaphore_mem>>) src(%arg17 : memref<128x64xf32, #tpu.memory_space<vmem>>) dst(%dma_wait3A_155 : memref<128x64xf32, #tpu.memory_space<hbm>>)
      } else {
      }
      %add3A_54 = arith.constant 1 : i32
      %add3A_55 = arith.addi %mul3A_51, %add3A_54 : i32
      %mul3A_56 = arith.constant 128 : i32
      %mul3A_57 = arith.muli %add3A_55, %mul3A_56 : i32
      %dma_start3A_58 = tpu.memref_slice %arg10[%mul3A_57] : memref<16384xi32, #tpu.memory_space<vmem>> -> memref<128xi32, #tpu.memory_space<vmem>>
      %dma_start3A_59 = arith.constant 0 : i32
      %dma_start3A_60 = arith.constant 0 : i32
      %dma_start3A_61 = tpu.memref_slice %arg2[%dma_start3A_59, %dma_start3A_60] : memref<131072x64xf32, #tpu.memory_space<hbm>> -> memref<131072x64xf32, #tpu.memory_space<hbm>>
      tpu.enqueue_indirect_dma source(%dma_start3A_61 : memref<131072x64xf32, #tpu.memory_space<hbm>>) target(%arg15 : memref<128x64xf32, #tpu.memory_space<vmem>>) offsets(%dma_start3A_58 : memref<128xi32, #tpu.memory_space<vmem>>) semaphore(%arg19 : memref<!tpu.dma_semaphore, #tpu.memory_space<semaphore_mem>>)
      %dma_start3A_62 = tpu.memref_slice %arg11[%mul3A_57] : memref<16384xi32, #tpu.memory_space<vmem>> -> memref<128xi32, #tpu.memory_space<vmem>>
      %dma_start3A_63 = arith.constant 0 : i32
      %dma_start3A_64 = arith.constant 0 : i32
      %dma_start3A_65 = tpu.memref_slice %arg3[%dma_start3A_63, %dma_start3A_64] : memref<131072x64xf32, #tpu.memory_space<hbm>> -> memref<131072x64xf32, #tpu.memory_space<hbm>>
      tpu.enqueue_indirect_dma source(%dma_start3A_65 : memref<131072x64xf32, #tpu.memory_space<hbm>>) target(%arg16 : memref<128x64xf32, #tpu.memory_space<vmem>>) offsets(%dma_start3A_62 : memref<128xi32, #tpu.memory_space<vmem>>) semaphore(%arg19 : memref<!tpu.dma_semaphore, #tpu.memory_space<semaphore_mem>>)
      %dma_start3A_66 = tpu.memref_slice %arg11[%mul3A_57] : memref<16384xi32, #tpu.memory_space<vmem>> -> memref<128xi32, #tpu.memory_space<vmem>>
      %dma_start3A_67 = arith.constant 0 : i32
      %dma_start3A_68 = arith.constant 0 : i32
      %dma_start3A_69 = tpu.memref_slice %arg4[%dma_start3A_67, %dma_start3A_68] : memref<131072x64xf32, #tpu.memory_space<hbm>> -> memref<131072x64xf32, #tpu.memory_space<hbm>>
      tpu.enqueue_indirect_dma source(%dma_start3A_69 : memref<131072x64xf32, #tpu.memory_space<hbm>>) target(%arg17 : memref<128x64xf32, #tpu.memory_space<vmem>>) offsets(%dma_start3A_66 : memref<128xi32, #tpu.memory_space<vmem>>) semaphore(%arg19 : memref<!tpu.dma_semaphore, #tpu.memory_space<semaphore_mem>>)
      %mul3A_70 = arith.constant 128 : i32
      %mul3A_71 = arith.muli %mul3A_51, %mul3A_70 : i32
      %dma_wait3A_72 = tpu.memref_slice %arg10[%mul3A_71] : memref<16384xi32, #tpu.memory_space<vmem>> -> memref<128xi32, #tpu.memory_space<vmem>>
      %dma_wait3A_73 = arith.constant 0 : i32
      %dma_wait3A_74 = arith.constant 0 : i32
      %dma_wait3A_75 = tpu.memref_slice %arg2[%dma_wait3A_73, %dma_wait3A_74] : memref<131072x64xf32, #tpu.memory_space<hbm>> -> memref<131072x64xf32, #tpu.memory_space<hbm>>
      tpu.wait_indirect_dma semaphore(%arg18 : memref<!tpu.dma_semaphore, #tpu.memory_space<semaphore_mem>>) src(%dma_wait3A_75 : memref<131072x64xf32, #tpu.memory_space<hbm>>) dst(%arg12 : memref<128x64xf32, #tpu.memory_space<vmem>>)
      %dma_wait3A_76 = tpu.memref_slice %arg11[%mul3A_71] : memref<16384xi32, #tpu.memory_space<vmem>> -> memref<128xi32, #tpu.memory_space<vmem>>
      %dma_wait3A_77 = arith.constant 0 : i32
      %dma_wait3A_78 = arith.constant 0 : i32
      %dma_wait3A_79 = tpu.memref_slice %arg3[%dma_wait3A_77, %dma_wait3A_78] : memref<131072x64xf32, #tpu.memory_space<hbm>> -> memref<131072x64xf32, #tpu.memory_space<hbm>>
      tpu.wait_indirect_dma semaphore(%arg18 : memref<!tpu.dma_semaphore, #tpu.memory_space<semaphore_mem>>) src(%dma_wait3A_79 : memref<131072x64xf32, #tpu.memory_space<hbm>>) dst(%arg13 : memref<128x64xf32, #tpu.memory_space<vmem>>)
      %dma_wait3A_80 = tpu.memref_slice %arg11[%mul3A_71] : memref<16384xi32, #tpu.memory_space<vmem>> -> memref<128xi32, #tpu.memory_space<vmem>>
      %dma_wait3A_81 = arith.constant 0 : i32
      %dma_wait3A_82 = arith.constant 0 : i32
      %dma_wait3A_83 = tpu.memref_slice %arg4[%dma_wait3A_81, %dma_wait3A_82] : memref<131072x64xf32, #tpu.memory_space<hbm>> -> memref<131072x64xf32, #tpu.memory_space<hbm>>
      tpu.wait_indirect_dma semaphore(%arg18 : memref<!tpu.dma_semaphore, #tpu.memory_space<semaphore_mem>>) src(%dma_wait3A_83 : memref<131072x64xf32, #tpu.memory_space<hbm>>) dst(%arg14 : memref<128x64xf32, #tpu.memory_space<vmem>>)
      %mul3A_84 = arith.constant 128 : i32
      %mul3A_85 = arith.muli %mul3A_51, %mul3A_84 : i32
      %add3A_86 = arith.addi %mul3A_2, %mul3A_85 : i32
      %dma_start3A_87 = arith.constant 0 : i32
      %dma_start3A_88 = tpu.memref_slice %arg7[%add3A_86, %dma_start3A_87] : memref<524288x64xf32, #tpu.memory_space<hbm>> -> memref<128x64xf32, #tpu.memory_space<hbm>>
      %dma_start3A_89 = arith.constant 0 : i32
      %dma_start3A_90 = tpu.memref_slice %arg7[%add3A_86, %dma_start3A_89] : memref<524288x64xf32, #tpu.memory_space<hbm>> -> memref<128x64xf32, #tpu.memory_space<hbm>>
      tpu.enqueue_dma source(%arg12 : memref<128x64xf32, #tpu.memory_space<vmem>>) target(%dma_start3A_90 : memref<128x64xf32, #tpu.memory_space<hbm>>) target_semaphore(%arg20 : memref<!tpu.dma_semaphore, #tpu.memory_space<semaphore_mem>>)
      %dma_start3A_91 = arith.constant 0 : i32
      %dma_start3A_92 = tpu.memref_slice %arg8[%add3A_86, %dma_start3A_91] : memref<524288x64xf32, #tpu.memory_space<hbm>> -> memref<128x64xf32, #tpu.memory_space<hbm>>
      %dma_start3A_93 = arith.constant 0 : i32
      %dma_start3A_94 = tpu.memref_slice %arg8[%add3A_86, %dma_start3A_93] : memref<524288x64xf32, #tpu.memory_space<hbm>> -> memref<128x64xf32, #tpu.memory_space<hbm>>
      tpu.enqueue_dma source(%arg13 : memref<128x64xf32, #tpu.memory_space<vmem>>) target(%dma_start3A_94 : memref<128x64xf32, #tpu.memory_space<hbm>>) target_semaphore(%arg20 : memref<!tpu.dma_semaphore, #tpu.memory_space<semaphore_mem>>)
      %dma_start3A_95 = arith.constant 0 : i32
      %dma_start3A_96 = tpu.memref_slice %arg9[%add3A_86, %dma_start3A_95] : memref<524288x64xf32, #tpu.memory_space<hbm>> -> memref<128x64xf32, #tpu.memory_space<hbm>>
      %dma_start3A_97 = arith.constant 0 : i32
      %dma_start3A_98 = tpu.memref_slice %arg9[%add3A_86, %dma_start3A_97] : memref<524288x64xf32, #tpu.memory_space<hbm>> -> memref<128x64xf32, #tpu.memory_space<hbm>>
      tpu.enqueue_dma source(%arg14 : memref<128x64xf32, #tpu.memory_space<vmem>>) target(%dma_start3A_98 : memref<128x64xf32, #tpu.memory_space<hbm>>) target_semaphore(%arg20 : memref<!tpu.dma_semaphore, #tpu.memory_space<semaphore_mem>>)
      %mul3A_99 = arith.constant 2 : i32
      %mul3A_100 = arith.muli %mul3A_99, %scan3A_49 : i32
      %add3A_101 = arith.constant 2 : i32
      %add3A_102 = arith.addi %mul3A_100, %add3A_101 : i32
      %lt3A = arith.constant 128 : i32
      %lt3A_103 = arith.cmpi slt, %add3A_102, %lt3A : i32
      %convert_element_type3A_104 = arith.extui %lt3A_103 : i1 to i32
      %cond3A_105 = arith.constant 0 : i32
      %cond3A_106 = arith.cmpi ne, %convert_element_type3A_104, %cond3A_105 : i32
      scf.if %cond3A_106 {
        %mul3A_140 = arith.constant 128 : i32
        %mul3A_141 = arith.muli %mul3A_51, %mul3A_140 : i32
        %add3A_142 = arith.addi %mul3A_2, %mul3A_141 : i32
        %dma_wait3A_143 = arith.constant 0 : i32
        %dma_wait3A_144 = tpu.memref_slice %arg7[%add3A_142, %dma_wait3A_143] : memref<524288x64xf32, #tpu.memory_space<hbm>> -> memref<128x64xf32, #tpu.memory_space<hbm>>
        %dma_wait3A_145 = arith.constant 0 : i32
        %dma_wait3A_146 = tpu.memref_slice %arg7[%add3A_142, %dma_wait3A_145] : memref<524288x64xf32, #tpu.memory_space<hbm>> -> memref<128x64xf32, #tpu.memory_space<hbm>>
        tpu.wait_dma2 semaphore(%arg20 : memref<!tpu.dma_semaphore, #tpu.memory_space<semaphore_mem>>) src(%arg12 : memref<128x64xf32, #tpu.memory_space<vmem>>) dst(%dma_wait3A_146 : memref<128x64xf32, #tpu.memory_space<hbm>>)
        %dma_wait3A_147 = arith.constant 0 : i32
        %dma_wait3A_148 = tpu.memref_slice %arg8[%add3A_142, %dma_wait3A_147] : memref<524288x64xf32, #tpu.memory_space<hbm>> -> memref<128x64xf32, #tpu.memory_space<hbm>>
        %dma_wait3A_149 = arith.constant 0 : i32
        %dma_wait3A_150 = tpu.memref_slice %arg8[%add3A_142, %dma_wait3A_149] : memref<524288x64xf32, #tpu.memory_space<hbm>> -> memref<128x64xf32, #tpu.memory_space<hbm>>
        tpu.wait_dma2 semaphore(%arg20 : memref<!tpu.dma_semaphore, #tpu.memory_space<semaphore_mem>>) src(%arg13 : memref<128x64xf32, #tpu.memory_space<vmem>>) dst(%dma_wait3A_150 : memref<128x64xf32, #tpu.memory_space<hbm>>)
        %dma_wait3A_151 = arith.constant 0 : i32
        %dma_wait3A_152 = tpu.memref_slice %arg9[%add3A_142, %dma_wait3A_151] : memref<524288x64xf32, #tpu.memory_space<hbm>> -> memref<128x64xf32, #tpu.memory_space<hbm>>
        %dma_wait3A_153 = arith.constant 0 : i32
        %dma_wait3A_154 = tpu.memref_slice %arg9[%add3A_142, %dma_wait3A_153] : memref<524288x64xf32, #tpu.memory_space<hbm>> -> memref<128x64xf32, #tpu.memory_space<hbm>>
        tpu.wait_dma2 semaphore(%arg20 : memref<!tpu.dma_semaphore, #tpu.memory_space<semaphore_mem>>) src(%arg14 : memref<128x64xf32, #tpu.memory_space<vmem>>) dst(%dma_wait3A_154 : memref<128x64xf32, #tpu.memory_space<hbm>>)
        %add3A_155 = arith.constant 2 : i32
        %add3A_156 = arith.addi %mul3A_51, %add3A_155 : i32
        %mul3A_157 = arith.constant 128 : i32
        %mul3A_158 = arith.muli %add3A_156, %mul3A_157 : i32
        %dma_start3A_159 = tpu.memref_slice %arg10[%mul3A_158] : memref<16384xi32, #tpu.memory_space<vmem>> -> memref<128xi32, #tpu.memory_space<vmem>>
        %dma_start3A_160 = arith.constant 0 : i32
        %dma_start3A_161 = arith.constant 0 : i32
        %dma_start3A_162 = tpu.memref_slice %arg2[%dma_start3A_160, %dma_start3A_161] : memref<131072x64xf32, #tpu.memory_space<hbm>> -> memref<131072x64xf32, #tpu.memory_space<hbm>>
        tpu.enqueue_indirect_dma source(%dma_start3A_162 : memref<131072x64xf32, #tpu.memory_space<hbm>>) target(%arg12 : memref<128x64xf32, #tpu.memory_space<vmem>>) offsets(%dma_start3A_159 : memref<128xi32, #tpu.memory_space<vmem>>) semaphore(%arg18 : memref<!tpu.dma_semaphore, #tpu.memory_space<semaphore_mem>>)
        %dma_start3A_163 = tpu.memref_slice %arg11[%mul3A_158] : memref<16384xi32, #tpu.memory_space<vmem>> -> memref<128xi32, #tpu.memory_space<vmem>>
        %dma_start3A_164 = arith.constant 0 : i32
        %dma_start3A_165 = arith.constant 0 : i32
        %dma_start3A_166 = tpu.memref_slice %arg3[%dma_start3A_164, %dma_start3A_165] : memref<131072x64xf32, #tpu.memory_space<hbm>> -> memref<131072x64xf32, #tpu.memory_space<hbm>>
        tpu.enqueue_indirect_dma source(%dma_start3A_166 : memref<131072x64xf32, #tpu.memory_space<hbm>>) target(%arg13 : memref<128x64xf32, #tpu.memory_space<vmem>>) offsets(%dma_start3A_163 : memref<128xi32, #tpu.memory_space<vmem>>) semaphore(%arg18 : memref<!tpu.dma_semaphore, #tpu.memory_space<semaphore_mem>>)
        %dma_start3A_167 = tpu.memref_slice %arg11[%mul3A_158] : memref<16384xi32, #tpu.memory_space<vmem>> -> memref<128xi32, #tpu.memory_space<vmem>>
        %dma_start3A_168 = arith.constant 0 : i32
        %dma_start3A_169 = arith.constant 0 : i32
        %dma_start3A_170 = tpu.memref_slice %arg4[%dma_start3A_168, %dma_start3A_169] : memref<131072x64xf32, #tpu.memory_space<hbm>> -> memref<131072x64xf32, #tpu.memory_space<hbm>>
        tpu.enqueue_indirect_dma source(%dma_start3A_170 : memref<131072x64xf32, #tpu.memory_space<hbm>>) target(%arg14 : memref<128x64xf32, #tpu.memory_space<vmem>>) offsets(%dma_start3A_167 : memref<128xi32, #tpu.memory_space<vmem>>) semaphore(%arg18 : memref<!tpu.dma_semaphore, #tpu.memory_space<semaphore_mem>>)
      } else {
      }
      %add3A_107 = arith.constant 1 : i32
      %add3A_108 = arith.addi %mul3A_51, %add3A_107 : i32
      %mul3A_109 = arith.constant 128 : i32
      %mul3A_110 = arith.muli %add3A_108, %mul3A_109 : i32
      %dma_wait3A_111 = tpu.memref_slice %arg10[%mul3A_110] : memref<16384xi32, #tpu.memory_space<vmem>> -> memref<128xi32, #tpu.memory_space<vmem>>
      %dma_wait3A_112 = arith.constant 0 : i32
      %dma_wait3A_113 = arith.constant 0 : i32
      %dma_wait3A_114 = tpu.memref_slice %arg2[%dma_wait3A_112, %dma_wait3A_113] : memref<131072x64xf32, #tpu.memory_space<hbm>> -> memref<131072x64xf32, #tpu.memory_space<hbm>>
      tpu.wait_indirect_dma semaphore(%arg19 : memref<!tpu.dma_semaphore, #tpu.memory_space<semaphore_mem>>) src(%dma_wait3A_114 : memref<131072x64xf32, #tpu.memory_space<hbm>>) dst(%arg15 : memref<128x64xf32, #tpu.memory_space<vmem>>)
      %dma_wait3A_115 = tpu.memref_slice %arg11[%mul3A_110] : memref<16384xi32, #tpu.memory_space<vmem>> -> memref<128xi32, #tpu.memory_space<vmem>>
      %dma_wait3A_116 = arith.constant 0 : i32
      %dma_wait3A_117 = arith.constant 0 : i32
      %dma_wait3A_118 = tpu.memref_slice %arg3[%dma_wait3A_116, %dma_wait3A_117] : memref<131072x64xf32, #tpu.memory_space<hbm>> -> memref<131072x64xf32, #tpu.memory_space<hbm>>
      tpu.wait_indirect_dma semaphore(%arg19 : memref<!tpu.dma_semaphore, #tpu.memory_space<semaphore_mem>>) src(%dma_wait3A_118 : memref<131072x64xf32, #tpu.memory_space<hbm>>) dst(%arg16 : memref<128x64xf32, #tpu.memory_space<vmem>>)
      %dma_wait3A_119 = tpu.memref_slice %arg11[%mul3A_110] : memref<16384xi32, #tpu.memory_space<vmem>> -> memref<128xi32, #tpu.memory_space<vmem>>
      %dma_wait3A_120 = arith.constant 0 : i32
      %dma_wait3A_121 = arith.constant 0 : i32
      %dma_wait3A_122 = tpu.memref_slice %arg4[%dma_wait3A_120, %dma_wait3A_121] : memref<131072x64xf32, #tpu.memory_space<hbm>> -> memref<131072x64xf32, #tpu.memory_space<hbm>>
      tpu.wait_indirect_dma semaphore(%arg19 : memref<!tpu.dma_semaphore, #tpu.memory_space<semaphore_mem>>) src(%dma_wait3A_122 : memref<131072x64xf32, #tpu.memory_space<hbm>>) dst(%arg17 : memref<128x64xf32, #tpu.memory_space<vmem>>)
      %add3A_123 = arith.constant 1 : i32
      %add3A_124 = arith.addi %mul3A_51, %add3A_123 : i32
      %mul3A_125 = arith.constant 128 : i32
      %mul3A_126 = arith.muli %add3A_124, %mul3A_125 : i32
      %add3A_127 = arith.addi %mul3A_2, %mul3A_126 : i32
      %dma_start3A_128 = arith.constant 0 : i32
      %dma_start3A_129 = tpu.memref_slice %arg7[%add3A_127, %dma_start3A_128] : memref<524288x64xf32, #tpu.memory_space<hbm>> -> memref<128x64xf32, #tpu.memory_space<hbm>>
      %dma_start3A_130 = arith.constant 0 : i32
      %dma_start3A_131 = tpu.memref_slice %arg7[%add3A_127, %dma_start3A_130] : memref<524288x64xf32, #tpu.memory_space<hbm>> -> memref<128x64xf32, #tpu.memory_space<hbm>>
      tpu.enqueue_dma source(%arg15 : memref<128x64xf32, #tpu.memory_space<vmem>>) target(%dma_start3A_131 : memref<128x64xf32, #tpu.memory_space<hbm>>) target_semaphore(%arg21 : memref<!tpu.dma_semaphore, #tpu.memory_space<semaphore_mem>>)
      %dma_start3A_132 = arith.constant 0 : i32
      %dma_start3A_133 = tpu.memref_slice %arg8[%add3A_127, %dma_start3A_132] : memref<524288x64xf32, #tpu.memory_space<hbm>> -> memref<128x64xf32, #tpu.memory_space<hbm>>
      %dma_start3A_134 = arith.constant 0 : i32
      %dma_start3A_135 = tpu.memref_slice %arg8[%add3A_127, %dma_start3A_134] : memref<524288x64xf32, #tpu.memory_space<hbm>> -> memref<128x64xf32, #tpu.memory_space<hbm>>
      tpu.enqueue_dma source(%arg16 : memref<128x64xf32, #tpu.memory_space<vmem>>) target(%dma_start3A_135 : memref<128x64xf32, #tpu.memory_space<hbm>>) target_semaphore(%arg21 : memref<!tpu.dma_semaphore, #tpu.memory_space<semaphore_mem>>)
      %dma_start3A_136 = arith.constant 0 : i32
      %dma_start3A_137 = tpu.memref_slice %arg9[%add3A_127, %dma_start3A_136] : memref<524288x64xf32, #tpu.memory_space<hbm>> -> memref<128x64xf32, #tpu.memory_space<hbm>>
      %dma_start3A_138 = arith.constant 0 : i32
      %dma_start3A_139 = tpu.memref_slice %arg9[%add3A_127, %dma_start3A_138] : memref<524288x64xf32, #tpu.memory_space<hbm>> -> memref<128x64xf32, #tpu.memory_space<hbm>>
      tpu.enqueue_dma source(%arg17 : memref<128x64xf32, #tpu.memory_space<vmem>>) target(%dma_start3A_139 : memref<128x64xf32, #tpu.memory_space<hbm>>) target_semaphore(%arg21 : memref<!tpu.dma_semaphore, #tpu.memory_space<semaphore_mem>>)
    }
    %scan3A_21 = arith.constant 64 : i32
    %add3A_22 = arith.constant 16128 : i32
    %add3A_23 = arith.addi %mul3A_2, %add3A_22 : i32
    %dma_wait3A = arith.constant 0 : i32
    %dma_wait3A_24 = tpu.memref_slice %arg7[%add3A_23, %dma_wait3A] : memref<524288x64xf32, #tpu.memory_space<hbm>> -> memref<128x64xf32, #tpu.memory_space<hbm>>
    %dma_wait3A_25 = arith.constant 0 : i32
    %dma_wait3A_26 = tpu.memref_slice %arg7[%add3A_23, %dma_wait3A_25] : memref<524288x64xf32, #tpu.memory_space<hbm>> -> memref<128x64xf32, #tpu.memory_space<hbm>>
    tpu.wait_dma2 semaphore(%arg20 : memref<!tpu.dma_semaphore, #tpu.memory_space<semaphore_mem>>) src(%arg12 : memref<128x64xf32, #tpu.memory_space<vmem>>) dst(%dma_wait3A_26 : memref<128x64xf32, #tpu.memory_space<hbm>>)
    %dma_wait3A_27 = arith.constant 0 : i32
    %dma_wait3A_28 = tpu.memref_slice %arg8[%add3A_23, %dma_wait3A_27] : memref<524288x64xf32, #tpu.memory_space<hbm>> -> memref<128x64xf32, #tpu.memory_space<hbm>>
    %dma_wait3A_29 = arith.constant 0 : i32
    %dma_wait3A_30 = tpu.memref_slice %arg8[%add3A_23, %dma_wait3A_29] : memref<524288x64xf32, #tpu.memory_space<hbm>> -> memref<128x64xf32, #tpu.memory_space<hbm>>
    tpu.wait_dma2 semaphore(%arg20 : memref<!tpu.dma_semaphore, #tpu.memory_space<semaphore_mem>>) src(%arg13 : memref<128x64xf32, #tpu.memory_space<vmem>>) dst(%dma_wait3A_30 : memref<128x64xf32, #tpu.memory_space<hbm>>)
    %dma_wait3A_31 = arith.constant 0 : i32
    %dma_wait3A_32 = tpu.memref_slice %arg9[%add3A_23, %dma_wait3A_31] : memref<524288x64xf32, #tpu.memory_space<hbm>> -> memref<128x64xf32, #tpu.memory_space<hbm>>
    %dma_wait3A_33 = arith.constant 0 : i32
    %dma_wait3A_34 = tpu.memref_slice %arg9[%add3A_23, %dma_wait3A_33] : memref<524288x64xf32, #tpu.memory_space<hbm>> -> memref<128x64xf32, #tpu.memory_space<hbm>>
    tpu.wait_dma2 semaphore(%arg20 : memref<!tpu.dma_semaphore, #tpu.memory_space<semaphore_mem>>) src(%arg14 : memref<128x64xf32, #tpu.memory_space<vmem>>) dst(%dma_wait3A_34 : memref<128x64xf32, #tpu.memory_space<hbm>>)
    %add3A_35 = arith.constant 16256 : i32
    %add3A_36 = arith.addi %mul3A_2, %add3A_35 : i32
    %dma_wait3A_37 = arith.constant 0 : i32
    %dma_wait3A_38 = tpu.memref_slice %arg7[%add3A_36, %dma_wait3A_37] : memref<524288x64xf32, #tpu.memory_space<hbm>> -> memref<128x64xf32, #tpu.memory_space<hbm>>
    %dma_wait3A_39 = arith.constant 0 : i32
    %dma_wait3A_40 = tpu.memref_slice %arg7[%add3A_36, %dma_wait3A_39] : memref<524288x64xf32, #tpu.memory_space<hbm>> -> memref<128x64xf32, #tpu.memory_space<hbm>>
    tpu.wait_dma2 semaphore(%arg21 : memref<!tpu.dma_semaphore, #tpu.memory_space<semaphore_mem>>) src(%arg15 : memref<128x64xf32, #tpu.memory_space<vmem>>) dst(%dma_wait3A_40 : memref<128x64xf32, #tpu.memory_space<hbm>>)
    %dma_wait3A_41 = arith.constant 0 : i32
    %dma_wait3A_42 = tpu.memref_slice %arg8[%add3A_36, %dma_wait3A_41] : memref<524288x64xf32, #tpu.memory_space<hbm>> -> memref<128x64xf32, #tpu.memory_space<hbm>>
    %dma_wait3A_43 = arith.constant 0 : i32
    %dma_wait3A_44 = tpu.memref_slice %arg8[%add3A_36, %dma_wait3A_43] : memref<524288x64xf32, #tpu.memory_space<hbm>> -> memref<128x64xf32, #tpu.memory_space<hbm>>
    tpu.wait_dma2 semaphore(%arg21 : memref<!tpu.dma_semaphore, #tpu.memory_space<semaphore_mem>>) src(%arg16 : memref<128x64xf32, #tpu.memory_space<vmem>>) dst(%dma_wait3A_44 : memref<128x64xf32, #tpu.memory_space<hbm>>)
    %dma_wait3A_45 = arith.constant 0 : i32
    %dma_wait3A_46 = tpu.memref_slice %arg9[%add3A_36, %dma_wait3A_45] : memref<524288x64xf32, #tpu.memory_space<hbm>> -> memref<128x64xf32, #tpu.memory_space<hbm>>
    %dma_wait3A_47 = arith.constant 0 : i32
    %dma_wait3A_48 = tpu.memref_slice %arg9[%add3A_36, %dma_wait3A_47] : memref<524288x64xf32, #tpu.memory_space<hbm>> -> memref<128x64xf32, #tpu.memory_space<hbm>>
    tpu.wait_dma2 semaphore(%arg21 : memref<!tpu.dma_semaphore, #tpu.memory_space<semaphore_mem>>) src(%arg17 : memref<128x64xf32, #tpu.memory_space<vmem>>) dst(%dma_wait3A_48 : memref<128x64xf32, #tpu.memory_space<hbm>>)
    return
  }
}

module attributes {stable_mosaic.version = 14 : i64} {
  func.func @_attn_body(%arg0: i32, %arg1: memref<16x64x128xf32, #tpu.memory_space<vmem>>, %arg2: memref<16x64x128xf32, #tpu.memory_space<vmem>>, %arg3: memref<16x64x128xf32, #tpu.memory_space<vmem>>, %arg4: memref<16x64x128xf32, #tpu.memory_space<vmem>>, %arg5: memref<16x128xf32, #tpu.memory_space<vmem>>) attributes {dimension_semantics = [#tpu.dimension_semantics<arbitrary>], iteration_bounds = array<i64: 256>, scalar_prefetch = 0 : i64, scratch_operands = 0 : i64, tpu.core_type = #tpu.core_type<tc>, window_params = [{transform_indices = @transform_0, window_bounds = array<i64: 16, 64, 128>}, {transform_indices = @transform_1, window_bounds = array<i64: 16, 64, 128>}, {transform_indices = @transform_2, window_bounds = array<i64: 16, 64, 128>}, {transform_indices = @transform_3, window_bounds = array<i64: 16, 64, 128>}, {transform_indices = @transform_4, window_bounds = array<i64: 16, 128>}]} {
    %get3A = arith.constant 0 : index
    %get3A_0 = arith.constant 0 : index
    %get3A_1 = arith.constant 0 : index
    %get3A_2 = vector.load %arg1[%get3A, %get3A_0, %get3A_1] : memref<16x64x128xf32, #tpu.memory_space<vmem>>, vector<16x64x128xf32>
    %slice3A = vector.extract_strided_slice %get3A_2 {offsets = [0, 0, 0], sizes = [16, 64, 64], strides = [1, 1, 1]} : vector<16x64x128xf32> to vector<16x64x64xf32>
    %slice3A_3 = vector.extract_strided_slice %get3A_2 {offsets = [0, 0, 64], sizes = [16, 64, 64], strides = [1, 1, 1]} : vector<16x64x128xf32> to vector<16x64x64xf32>
    %concatenate3A = tpu.concatenate %slice3A, %slice3A_3 in 1 : vector<16x64x64xf32>, vector<16x64x64xf32> -> vector<16x128x64xf32>
    %get3A_4 = arith.constant 0 : index
    %get3A_5 = arith.constant 0 : index
    %get3A_6 = arith.constant 0 : index
    %get3A_7 = vector.load %arg2[%get3A_4, %get3A_5, %get3A_6] : memref<16x64x128xf32, #tpu.memory_space<vmem>>, vector<16x64x128xf32>
    %slice3A_8 = vector.extract_strided_slice %get3A_7 {offsets = [0, 0, 0], sizes = [16, 64, 64], strides = [1, 1, 1]} : vector<16x64x128xf32> to vector<16x64x64xf32>
    %slice3A_9 = vector.extract_strided_slice %get3A_7 {offsets = [0, 0, 64], sizes = [16, 64, 64], strides = [1, 1, 1]} : vector<16x64x128xf32> to vector<16x64x64xf32>
    %concatenate3A_10 = tpu.concatenate %slice3A_8, %slice3A_9 in 1 : vector<16x64x64xf32>, vector<16x64x64xf32> -> vector<16x128x64xf32>
    %get3A_11 = arith.constant 0 : index
    %get3A_12 = arith.constant 0 : index
    %get3A_13 = arith.constant 0 : index
    %get3A_14 = vector.load %arg3[%get3A_11, %get3A_12, %get3A_13] : memref<16x64x128xf32, #tpu.memory_space<vmem>>, vector<16x64x128xf32>
    %slice3A_15 = vector.extract_strided_slice %get3A_14 {offsets = [0, 0, 0], sizes = [16, 64, 64], strides = [1, 1, 1]} : vector<16x64x128xf32> to vector<16x64x64xf32>
    %slice3A_16 = vector.extract_strided_slice %get3A_14 {offsets = [0, 0, 64], sizes = [16, 64, 64], strides = [1, 1, 1]} : vector<16x64x128xf32> to vector<16x64x64xf32>
    %concatenate3A_17 = tpu.concatenate %slice3A_15, %slice3A_16 in 1 : vector<16x64x64xf32>, vector<16x64x64xf32> -> vector<16x128x64xf32>
    %dot_general3A = arith.constant dense<0.000000e+00> : vector<16x128x128xf32>
    %dot_general3A_18 = tpu.matmul %concatenate3A, %concatenate3A_10, %dot_general3A {dimension_numbers = #tpu.dot_dimension_numbers<[2], [2], [1], [1], [0, 0, 0, 1, 1, 1], [0], [0]>, transpose_lhs_hint = false} : vector<16x128x64xf32>, vector<16x128x64xf32>, vector<16x128x128xf32> -> vector<16x128x128xf32>
    %reduce_max3A = arith.constant dense<0xFF800000> : vector<16x128xf32>
    %reduce_max3A_19 = vector.multi_reduction <maximumf>, %dot_general3A_18, %reduce_max3A [2] : vector<16x128x128xf32> to vector<16x128xf32>
    %broadcast_in_dim3A = vector.shape_cast %reduce_max3A_19 : vector<16x128xf32> to vector<16x128x1xf32>
    %sub3A = vector.broadcast %broadcast_in_dim3A : vector<16x128x1xf32> to vector<16x128x128xf32>
    %sub3A_20 = arith.subf %dot_general3A_18, %sub3A : vector<16x128x128xf32>
    %exp3A = math.exp %sub3A_20 : vector<16x128x128xf32>
    %reduce_sum3A = arith.constant dense<0.000000e+00> : vector<16x128xf32>
    %reduce_sum3A_21 = vector.multi_reduction <add>, %exp3A, %reduce_sum3A [2] : vector<16x128x128xf32> to vector<16x128xf32>
    %broadcast_in_dim3A_22 = vector.shape_cast %reduce_sum3A_21 : vector<16x128xf32> to vector<16x128x1xf32>
    %dot_general3A_23 = arith.constant dense<0.000000e+00> : vector<16x128x64xf32>
    %dot_general3A_24 = tpu.matmul %exp3A, %concatenate3A_17, %dot_general3A_23 {dimension_numbers = #tpu.dot_dimension_numbers<[2], [1], [1], [2], [0, 0, 0, 1, 1, 2], [0], [0]>, transpose_lhs_hint = false} : vector<16x128x128xf32>, vector<16x128x64xf32>, vector<16x128x64xf32> -> vector<16x128x64xf32>
    %div3A = vector.broadcast %broadcast_in_dim3A_22 : vector<16x128x1xf32> to vector<16x128x64xf32>
    %div3A_25 = arith.divf %dot_general3A_24, %div3A : vector<16x128x64xf32>
    %slice3A_26 = vector.extract_strided_slice %div3A_25 {offsets = [0, 0, 0], sizes = [16, 64, 64], strides = [1, 1, 1]} : vector<16x128x64xf32> to vector<16x64x64xf32>
    %slice3A_27 = vector.extract_strided_slice %div3A_25 {offsets = [0, 64, 0], sizes = [16, 64, 64], strides = [1, 1, 1]} : vector<16x128x64xf32> to vector<16x64x64xf32>
    %concatenate3A_28 = tpu.concatenate %slice3A_26, %slice3A_27 in 2 : vector<16x64x64xf32>, vector<16x64x64xf32> -> vector<16x64x128xf32>
    %swap3A = arith.constant 0 : index
    %swap3A_29 = arith.constant 0 : index
    %swap3A_30 = arith.constant 0 : index
    %swap3A_31 = vector.load %arg4[%swap3A, %swap3A_29, %swap3A_30] : memref<16x64x128xf32, #tpu.memory_space<vmem>>, vector<16x64x128xf32>
    tpu.vector_store %arg4[%swap3A, %swap3A_29, %swap3A_30], %concatenate3A_28 {strides = array<i32>} : memref<16x64x128xf32, #tpu.memory_space<vmem>>, vector<16x64x128xf32>,
    %log3A = math.log %broadcast_in_dim3A_22 : vector<16x128x1xf32>
    %add3A = arith.addf %broadcast_in_dim3A, %log3A : vector<16x128x1xf32>
    %squeeze3A = vector.shape_cast %add3A : vector<16x128x1xf32> to vector<16x128xf32>
    %swap3A_32 = arith.constant 0 : index
    %swap3A_33 = arith.constant 0 : index
    %swap3A_34 = vector.load %arg5[%swap3A_32, %swap3A_33] : memref<16x128xf32, #tpu.memory_space<vmem>>, vector<16x128xf32>
    tpu.vector_store %arg5[%swap3A_32, %swap3A_33], %squeeze3A {strides = array<i32>} : memref<16x128xf32, #tpu.memory_space<vmem>>, vector<16x128xf32>,
    return
  }
  func.func @transform_0(%arg0: i32) -> (i32, i32, i32) {
    %c0_i32 = arith.constant 0 : i32
    %c0_i32_0 = arith.constant 0 : i32
    %c0_i32_1 = arith.constant 0 : i32
    return %arg0, %c0_i32, %c0_i32_0 : i32, i32, i32
  }
  func.func @transform_1(%arg0: i32) -> (i32, i32, i32) {
    %c0_i32 = arith.constant 0 : i32
    %c0_i32_0 = arith.constant 0 : i32
    %c0_i32_1 = arith.constant 0 : i32
    return %arg0, %c0_i32, %c0_i32_0 : i32, i32, i32
  }
  func.func @transform_2(%arg0: i32) -> (i32, i32, i32) {
    %c0_i32 = arith.constant 0 : i32
    %c0_i32_0 = arith.constant 0 : i32
    %c0_i32_1 = arith.constant 0 : i32
    return %arg0, %c0_i32, %c0_i32_0 : i32, i32, i32
  }
  func.func @transform_3(%arg0: i32) -> (i32, i32, i32) {
    %c0_i32 = arith.constant 0 : i32
    %c0_i32_0 = arith.constant 0 : i32
    %c0_i32_1 = arith.constant 0 : i32
    return %arg0, %c0_i32, %c0_i32_0 : i32, i32, i32
  }
  func.func @transform_4(%arg0: i32) -> (i32, i32) {
    %c0_i32 = arith.constant 0 : i32
    %c0_i32_0 = arith.constant 0 : i32
    return %arg0, %c0_i32 : i32, i32
  }
}

module attributes {stable_mosaic.version = 14 : i64} {
  func.func @_combine_body(%arg0: i32, %arg1: memref<4x512xf32, #tpu.memory_space<vmem>>, %arg2: memref<4x512x64xf32, #tpu.memory_space<vmem>>, %arg3: memref<512x64xf32, #tpu.memory_space<vmem>>) attributes {dimension_semantics = [#tpu.dimension_semantics<arbitrary>], iteration_bounds = array<i64: 256>, scalar_prefetch = 0 : i64, scratch_operands = 0 : i64, tpu.core_type = #tpu.core_type<tc>, window_params = [{transform_indices = @transform_0, window_bounds = array<i64: 4, 512>}, {transform_indices = @transform_1, window_bounds = array<i64: 4, 512, 64>}, {transform_indices = @transform_2, window_bounds = array<i64: 512, 64>}]} {
    %get3A = arith.constant 0 : index
    %get3A_0 = arith.constant 0 : index
    %get3A_1 = vector.load %arg1[%get3A, %get3A_0] : memref<4x512xf32, #tpu.memory_space<vmem>>, vector<4x512xf32>
    %reduce_max3A = arith.constant dense<0xFF800000> : vector<512xf32>
    %reduce_max3A_2 = vector.multi_reduction <maximumf>, %get3A_1, %reduce_max3A [0] : vector<4x512xf32> to vector<512xf32>
    %broadcast_in_dim3A = vector.shape_cast %reduce_max3A_2 : vector<512xf32> to vector<1x512xf32>
    %sub3A = vector.broadcast %broadcast_in_dim3A : vector<1x512xf32> to vector<4x512xf32>
    %sub3A_3 = arith.subf %get3A_1, %sub3A : vector<4x512xf32>
    %exp3A = math.exp %sub3A_3 : vector<4x512xf32>
    %reduce_sum3A = arith.constant dense<0.000000e+00> : vector<512xf32>
    %reduce_sum3A_4 = vector.multi_reduction <add>, %exp3A, %reduce_sum3A [0] : vector<4x512xf32> to vector<512xf32>
    %broadcast_in_dim3A_5 = vector.shape_cast %reduce_sum3A_4 : vector<512xf32> to vector<1x512xf32>
    %div3A = vector.broadcast %broadcast_in_dim3A_5 : vector<1x512xf32> to vector<4x512xf32>
    %div3A_6 = arith.divf %exp3A, %div3A : vector<4x512xf32>
    %get3A_7 = arith.constant 0 : index
    %get3A_8 = arith.constant 0 : index
    %get3A_9 = arith.constant 0 : index
    %get3A_10 = vector.load %arg2[%get3A_7, %get3A_8, %get3A_9] : memref<4x512x64xf32, #tpu.memory_space<vmem>>, vector<4x512x64xf32>
    %broadcast_in_dim3A_11 = vector.shape_cast %div3A_6 : vector<4x512xf32> to vector<4x512x1xf32>
    %mul3A = vector.broadcast %broadcast_in_dim3A_11 : vector<4x512x1xf32> to vector<4x512x64xf32>
    %mul3A_12 = arith.mulf %get3A_10, %mul3A : vector<4x512x64xf32>
    %reduce_sum3A_13 = arith.constant dense<0.000000e+00> : vector<512x64xf32>
    %reduce_sum3A_14 = vector.multi_reduction <add>, %mul3A_12, %reduce_sum3A_13 [0] : vector<4x512x64xf32> to vector<512x64xf32>
    %swap3A = arith.constant 0 : index
    %swap3A_15 = arith.constant 0 : index
    %swap3A_16 = vector.load %arg3[%swap3A, %swap3A_15] : memref<512x64xf32, #tpu.memory_space<vmem>>, vector<512x64xf32>
    tpu.vector_store %arg3[%swap3A, %swap3A_15], %reduce_sum3A_14 {strides = array<i32>} : memref<512x64xf32, #tpu.memory_space<vmem>>, vector<512x64xf32>,
    return
  }
  func.func @transform_0(%arg0: i32) -> (i32, i32) {
    %c0_i32 = arith.constant 0 : i32
    %c0_i32_0 = arith.constant 0 : i32
    return %c0_i32, %arg0 : i32, i32
  }
  func.func @transform_1(%arg0: i32) -> (i32, i32, i32) {
    %c0_i32 = arith.constant 0 : i32
    %c0_i32_0 = arith.constant 0 : i32
    %c0_i32_1 = arith.constant 0 : i32
    return %c0_i32, %arg0, %c0_i32_0 : i32, i32, i32
  }
  func.func @transform_2(%arg0: i32) -> (i32, i32) {
    %c0_i32 = arith.constant 0 : i32
    %c0_i32_0 = arith.constant 0 : i32
    return %arg0, %c0_i32 : i32, i32
  }
}

</mosaic_0001>

<sc_bundles>
// kernel: kernel.6.cloned.1.call-start
scs
__scs_entry_jumppad:
0x0: {  	(pc) =	sbr.rel $0x88, $3  }
0x1: {  	(tag) =	ssettag $0x0;
	lr =	simm.s32 $0x1  }
0x2: {  	[smem:$0x3F9C] =	sst lr;
	_ =	strace $0xD0000000  }
0x3: {  	_ = 	snop  }
0x4: {  	_ = 	snop  }
0x5: {  	_ = 	snop  }
0x6: {  	_ = 	snop  }
0x7: {  	_ = 	snop  }
__scs_overlays_trampoline_lowered:
0x8: {  	[smem:$0x3FAB] =	sst s0  }
0x9: {  	[smem:$0x3FAC] =	sst s1  }
0xa: {  	[smem:$0x3FAD] =	sst s2  }
0xb: {  	[smem:$0x3FAE] =	sst s3  }
0xc: {  	[smem:$0x3FAF] =	sst s4  }
0xd: {  	[smem:$0x3FB0] =	sst s5  }
0xe: {  	[smem:$0x3FB1] =	sst s6  }
0xf: {  	[smem:$0x3FB2] =	sst s7  }
0x10: {  	[smem:$0x3FB3] =	sst s8  }
0x11: {  	[smem:$0x3FB4] =	sst s9;
	s0 =	simm.s32 @!p0 $0x0  }
0x12: {  	s1 =	sld [smem:$0x3F9A];
	s0 =	simm.s32 @p0 $0x1  }
0x13: {  	[smem:$0x3FB5] =	sst s0;
	s0 =	simm.s32 @!p1 $0x0  }
0x14: {  	s2 =	sld [smem:$0x3F99];
	s0 =	simm.s32 @p1 $0x1  }
0x15: {  	[smem:$0x3FB6] =	sst s0;
	s0 =	simm.s32 @!p2 $0x0  }
0x16: {  	s3 =	sld [smem:$0x3FDB];
	s0 =	simm.s32 @p2 $0x1  }
0x17: {  	s4 =	simm.s32 $0x1BF5;
	[smem:$0x3FB8] =	sst s0  }
0x18: {  	s0 =	sld [smem:$0x3F9B];
	_ =	swait.ge [sflag:s4], $0x0  }
0x19: {  	s7 =	sld [smem:$0x3F9C]  }
0x1a: {  	s8 =	sadd.s32 $0xFFFFE003, lr  }
0x1b: {  	s9 =	sadd.s32 $0xFFFFFEF7, lr;
	s5 =	simm.s32 $0xFFFFFFFF;
	p2 =	slt.u32 s8, $0xFFFFF086  }
0x1c: {  	p1 =	slt.u32 s9, $0xF7A;
	s5 =	simm.s32 @!p2 $0x0  }
0x1d: {  	s5 =	simm.s32 @p1 $0x1;
	p0 =	seq.s32 s7, s2  }
0x1e: {  	s7 =	smul.u32 @!p0 $0xF7A, s2;
	p2 =	seq.s32 @!p0 s5, $0x0  }
0x1f: {  	s9 =	smul.u32 $0xF7A, s1;
	s8 =	simm.s32 @!p0 $0x1BF5;
	p2 =	por !p2, p0  }
0x20: {  	[sflag:s8] =	ssyncset.s32 @!p0 $0xFFFFF086;
	s6 =	sadd.s32 @!p0 s3, s7;
	s7 =	simm.s32 @!p0 $0x108  }
0x21: {  	s3 =	sadd.s32 s3, s9;
	s6 =	sadd.s32 @!p0 $0x88, s6;
	s7 =	simm.s32 @p2 $0x1082  }
0x22: {  	[simem:s7], [sflag:s8] =	dma.local @!p0 [hbm:s6], $0xF7A  }
0x23: {  	s9 =	sor.u32 $0xD0000000, s2;
	s6 =	simm.s32 $0x108;
	_ =	swait.ge @!p0 [sflag:s8], $0x0  }
0x24: {  	s3 =	sadd.s32 $0x88, s3;
	s6 =	simm.s32 @!p1 $0x1082;
	[sflag:s4] =	ssyncset.s32 $0xFFFFF086  }
0x25: {  	[simem:s6], [sflag:s4] =	dma.local [hbm:s3], $0xF7A  }
0x26: {  	[smem:$0x3F9C] =	sst s1;
	(tag) =	ssettag s2;
	_ =	strace s9  }
0x27: {  	s1 =	sld [smem:$0x3FAC]  }
0x28: {  	s2 =	sld [smem:$0x3FAD]  }
0x29: {  	s4 =	sld [smem:$0x3FAF]  }
0x2a: {  	p0 =	seq.s32 s5, $0x0;
	s5 =	sld [smem:$0x3FB0]  }
0x2b: {  	s6 =	sld [smem:$0x3FB1]  }
0x2c: {  	s7 =	sld [smem:$0x3FB2]  }
0x2d: {  	s3 =	simm.s32 $0x108;
	s8 =	sld [smem:$0x3FB3]  }
0x2e: {  	s3 =	simm.s32 @!p0 $0x1082;
	s9 =	sld [smem:$0x3FB4]  }
0x2f: {  	lr =	sadd.s32 s0, s3;
	s0 =	sld [smem:$0x3FAB]  }
0x30: {  	s3 =	sld [smem:$0x3FAE]  }
0x31: {  	[smem:$0x3FB7] =	sst s10  }
0x32: {  	s10 =	sld [smem:$0x3FB5];
	_ =	sdelay $0x3  }
0x33: {  	p0 =	seq.s32 s10, $0x1;
	s10 =	sld [smem:$0x3FB7];
	_ =	sdelay $0x3  }
0x34: {  	[smem:$0x3FB7] =	sst s10  }
0x35: {  	s10 =	sld [smem:$0x3FB6];
	_ =	sdelay $0x3  }
0x36: {  	p1 =	seq.s32 s10, $0x1;
	s10 =	sld [smem:$0x3FB7];
	_ =	sdelay $0x3  }
0x37: {  	[smem:$0x3FB7] =	sst s10  }
0x38: {  	s10 =	sld [smem:$0x3FB8]  }
0x39: {  	_ = 	snop;
	(pc) =	sbr.ind lr, $3  }
0x3a: {  	_ = 	snop  }
0x3b: {  	_ = 	snop  }
0x3c: {  	p2 =	seq.s32 s10, $0x1;
	s10 =	sld [smem:$0x3FB7]  }
0x3d: {  	_ =	shalt  }
0x3e: {  	_ =	shalt  }
0x3f: {  	_ =	shalt  }
0x40: {  	_ =	shalt  }
0x41: {  	_ =	shalt  }
0x42: {  	_ =	shalt  }
0x43: {  	_ =	shalt  }
0x44: {  	_ =	shalt  }
0x45: {  	_ =	shalt  }
0x46: {  	_ =	shalt  }
0x47: {  	_ =	shalt  }
0x48: {  	_ =	shalt  }
0x49: {  	_ =	shalt  }
0x4a: {  	_ =	shalt  }
0x4b: {  	_ =	shalt  }
0x4c: {  	_ =	shalt  }
0x4d: {  	_ =	shalt  }
0x4e: {  	_ =	shalt  }
0x4f: {  	_ =	shalt  }
0x50: {  	_ =	shalt  }
0x51: {  	_ =	shalt  }
0x52: {  	_ =	shalt  }
0x53: {  	_ =	shalt  }
0x54: {  	_ =	shalt  }
0x55: {  	_ =	shalt  }
0x56: {  	_ =	shalt  }
0x57: {  	_ =	shalt  }
0x58: {  	_ =	shalt  }
0x59: {  	_ =	shalt  }
0x5a: {  	_ =	shalt  }
0x5b: {  	_ =	shalt  }
0x5c: {  	_ =	shalt  }
0x5d: {  	_ =	shalt  }
0x5e: {  	_ =	shalt  }
0x5f: {  	_ =	shalt  }
0x60: {  	_ =	shalt  }
0x61: {  	_ =	shalt  }
0x62: {  	_ =	shalt  }
0x63: {  	_ =	shalt  }
0x64: {  	_ =	shalt  }
0x65: {  	_ =	shalt  }
0x66: {  	_ =	shalt  }
0x67: {  	_ =	shalt  }
0x68: {  	_ =	shalt  }
0x69: {  	_ =	shalt  }
0x6a: {  	_ =	shalt  }
0x6b: {  	_ =	shalt  }
0x6c: {  	_ =	shalt  }
0x6d: {  	_ =	shalt  }
0x6e: {  	_ =	shalt  }
0x6f: {  	_ =	shalt  }
0x70: {  	_ =	shalt  }
0x71: {  	_ =	shalt  }
0x72: {  	_ =	shalt  }
0x73: {  	_ =	shalt  }
0x74: {  	_ =	shalt  }
0x75: {  	_ =	shalt  }
0x76: {  	_ =	shalt  }
0x77: {  	_ =	shalt  }
0x78: {  	_ =	shalt  }
0x79: {  	_ =	shalt  }
0x7a: {  	_ =	shalt  }
0x7b: {  	_ =	shalt  }
0x7c: {  	_ =	shalt  }
0x7d: {  	_ =	shalt  }
0x7e: {  	_ =	shalt  }
0x7f: {  	_ =	shalt  }
0x80: {  	_ =	shalt  }
0x81: {  	_ =	shalt  }
0x82: {  	_ =	shalt  }
0x83: {  	_ =	shalt  }
0x84: {  	_ =	shalt  }
0x85: {  	_ =	shalt  }
0x86: {  	_ =	shalt  }
0x87: {  	_ =	shalt  }
.Lfunc_end0:
.L_simem_size_0:
called_computation.1_lowered:
.L_overlay_start_0:
0x88: {  	s2 =	sld [smem:$0x3FD9]  }
0x89: {  	s3 =	sld [smem:$0x3FFE];
	_ =	sdelay $0x1  }
0x8a: {  	s1 =	srdreg.scid  }
0x8b: {  	s0 =	sand.u32 $0x1, s1  }
0x8c: {  	s17 =	sshll.u32 s0, $0xA;
	s2 =	sadd.s32 s3, s2  }
0x8d: {  	s2 =	sadd.s32 s2, s17  }
0x8e: {  	[smem:$0x3FC3] =	sst s2  }
0x8f: {  	_ = 	snop  }
0x90: {  	s2 =	sld [smem:$0x3FD0];
	(tm) =	ssettm $0x1  }
0x91: {  	s18 =	sld [smem:$0x3FFB];
	_ =	sdelay $0x3  }
0x92: {  	_ =	strace s18  }
0x93: {  	s3 =	sld [smem:$0x3FFC];
	_ =	sdelay $0x3  }
0x94: {  	_ =	strace s3  }
0x95: {  	s3 =	sld [smem:$0x3FFD];
	_ =	sdelay $0x3  }
0x96: {  	_ =	strace s3  }
0x97: {  	_ =	strace $0x8FFFFFFF  }
0x98: {  	s19 =	sld [smem:$0x3FDB];
	_ =	sdelay $0x1  }
0x99: {  	s4 =	simm.s32 $_scs_section_size  }
0x9a: {  	s5 =	simm.s32 $_size__tile_overlayer_lowered;
	s6 =	simm.s32 $_tile_overlayer_lowered  }
0x9b: {  	s22 =	simm.s32 $0x1BFF;
	s21 =	sshll.u32 s6, $0x1;
	s3 =	sadd.s32 s4, s19  }
0x9c: {  	s7 =	simm.s32 $0x0;
	s20 =	sshll.u32 s5, $0x1;
	s5 =	sadd.s32 s21, s3  }
0x9d: {  	[timem:s7], [sflag:s22] =	dma.local [hbm:s5], s20  }
0x9e: {  	_ =	swait.ge [sflag:s22], s20  }
0x9f: {  	s4 =	ssub.s32 $0x0, s20;
	[sflag:s22] =	ssyncset.done $0x0  }
0xa0: {  	[sflag:s22] =	ssyncadd.s32 s4;
	_ =	sdelay $0x1  }
0xa1: {  	s23 =	simm.s32 $0x1B8B  }
0xa2: {  	_ =	swait.ge [sflag:s23], $0x1  }
0xa3: {  	[sflag:s23] =	ssyncset.done $0x0  }
0xa4: {  	s25 =	simm.s32 $0x1B8E;
	s24 =	sld [smem:$0x3FFE];
	[sflag:s23] =	ssyncadd.s32 $0xFFFFFFFF  }
0xa5: {  	s26 =	simm.s32 $execute0_lowered;
	[smem:$0x3FD2] =	sst s25  }
0xa6: {  	s5 =	sshll.u32 s26, $0x1;
	_ =	strace $0x80000046;
	[dreg:$0x1] =	wrdreg $0xFFFFFFFF  }
0xa7: {  	s28 =	simm.s32 $_size_execute0_lowered;
	s3 =	sadd.s32 s3, s5;
	[dreg:$0x0] =	wrdreg $0x0  }
0xa8: {  	s5 =	sshll.u32 s28, $0x1;
	[dreg:$0x2] =	wrdreg s3  }
0xa9: {  	[dreg:$0x3] =	wrdreg s5  }
0xaa: {  	[dreg:$0x4] =	wrdreg $0xC0  }
0xab: {  	_ =	task [dreg:s7], $0x5FFFF  }
0xac: {  	[dreg:$0x1] =	wrdreg $0xFFFFFFFF  }
0xad: {  	[dreg:$0x0] =	wrdreg $0x60  }
0xae: {  	[dreg:$0x2] =	wrdreg s2  }
0xaf: {  	[dreg:$0x3] =	wrdreg s24  }
0xb0: {  	[dreg:$0x4] =	wrdreg $0x9  }
0xb1: {  	_ =	task.clear_ibuf [dreg:s7], $0x5FFFF;
	_ =	strace $0x90000046  }
0xb2: {  	s29 =	simm.s32 $0x9;
	_ =	strace $0x80000048  }
0xb3: {  	_ =	swait.ge [sflag:s29], $0x1  }
0xb4: {  	[sflag:s29] =	ssyncadd.s32 $0xFFFFFFFF  }
0xb5: {  	_ =	strace $0x90000048  }
0xb6: {  	_ =	sfence  }
0xb7: {  	s30 =	sld [smem:$0x0];
	_ =	sdelay $0x2  }
0xb8: {  	s31 =	sshll.u32 s1, $0xD;
	s1 =	sshrl.u32 s1, $0x2  }
0xb9: {  	s3 =	sand.u32 $0x4000, s31;
	s1 =	sadd.s32 s1, s30  }
0xba: {  	s0 =	sor.u32 s3, s0;
	s1 =	sshll.u32 s1, $0x11  }
0xbb: {  	s0 =	sor.u32 s1, s0  }
0xbc: {  	s0 =	sadd.s32 $0x8F2B, s0  }
0xbd: {  	[sflag:s0] =	ssyncadd.remote.s32 $0x1  }
0xbe: {  	_ =	sfence.sel $0xFFFF  }
0xbf: {  	[dreg:$0x0] =	wrdreg $0xFFFFFFFF;
	(pc) =	sbr.abs _section_cstart, $3  }
0xc0: {  	[dreg:$0x1] =	wrdreg $0xFFFFFFFF  }
0xc1: {  	_ =	task.clear_ibuf [dreg:s7], $0x2FFFF;
	_ =	strace $0x9FFFFFFF  }
0xc2: {  	(tm) =	ssettm $0x7FFFFFFF  }
0xc3: {  	_ =	shalt  }
tec
execute0_lowered:
.L_overlay_start_1:
0x0: {  	(tag) =	ssettag $0x1  }
0x1: {  	s2 =	rddreg [dreg:$0x0]  }
0x2: {  	s3 =	rddreg [dreg:$0x1]  }
0x3: {  	s0 =	srdreg.scid;
	s1 =	stileid.u32  }
0x4: {  	s4 =	simm.s32 $0x0;
	s11 =	simm.s32 $0x4000;
	s12 =	simm.s32 $0x8000  }
0x5: {  	s13 =	simm.s32 $0xA000;
	s14 =	simm.s32 $0xC000;
	s15 =	simm.s32 $0x80  }
0x6: {  	s16 =	simm.s32 $0xE000;
	s17 =	simm.s32 $0x10000;
	s18 =	simm.s32 $0x12000  }
0x7: {  	s19 =	simm.s32 $0x1;
	s20 =	simm.s32 $0x2;
	s21 =	simm.s32 $0x3  }
0x8: {  	s0 =	sand.u32 $0x1, s0;
	s5 =	sshll.u32 s1, $0xF;
	[smem:$0x7FF] =	sst s4  }
0x9: {  	s26 =	sshll.u32 s1, $0x12;
	s6 =	sshll.u32 s0, $0xE;
	_ =	strace $0x80000047  }
0xa: {  	s8 =	ssub.s32 $0x2, s0;
	s9 =	sadd.s32 s26, s3;
	s0 =	sshll.u32 s0, $0x11  }
0xb: {  	s6 =	sor.u32 s6, s5;
	s28 =	sshrl.u32 s8, $0x1;
	s0 =	sadd.s32 s0, s9  }
0xc: {  	s6 =	sshrl.u32 s6, $0x3;
	s8 =	ssub.s32 s8, s28;
	s10 =	sadd.s32 $0xB30000, s0  }
0xd: {  	s9 =	sadd.s32 $0xF30000, s0;
	s0 =	sadd.s32 $0x730000, s0;
	[dreg:$0x4] =	wrdreg s10  }
0xe: {  	s7 =	sadd.s32 s6, s3;
	s31 =	smax.u32 s8, $0x1;
	[dreg:$0x3] =	wrdreg s0  }
0xf: {  	s22 =	simm.s32 $0x4;
	s29 =	sadd.s32 $0x420000, s7;
	[dreg:$0x7] =	wrdreg s31  }
0x10: {  	s23 =	simm.s32 $0x0;
	s30 =	sadd.s32 $0x410000, s7;
	[dreg:$0x5] =	wrdreg s29  }
0x11: {  	s5 =	sadd.s32 $0x630000, s3;
	s10 =	simm.s32 $0x5;
	[dreg:$0x6] =	wrdreg s30  }
.LBB2_1:
0x12: {  	s0 =	rddreg [dreg:$0x5]  }
0x13: {  	[tilespmem:s4], [sflag:$0x5] =	stream.linear.gather [hbm4b:s0+s4], $0x4000, $0x38;
	[tilespmem:$0x14000] =	vst v63  }
0x14: {  	_ =	swait.ge [sflag:s10], $0x4000  }
0x15: {  	[sflag:s10] =	ssyncset.done $0x0  }
0x16: {  	s26 =	rddreg [dreg:$0x6];
	[sflag:s10] =	ssyncadd.s32 $0xFFFFC000  }
0x17: {  	[tilespmem:s11], [sflag:$0x5] =	stream.linear.gather [hbm4b:s26+s4], $0x4000, $0x38;
	[tilespmem:$0x14000] =	vst v63  }
0x18: {  	_ =	swait.ge [sflag:s10], $0x4000  }
0x19: {  	[sflag:s10] =	ssyncset.done $0x0  }
0x1a: {  	p0 =	por $0x1, $0x1;
	[sflag:s10] =	ssyncadd.s32 $0xFFFFC000  }
0x1b: {  	[tilespmem:s12], [sflag:$0x1] =	stream.indirect.gather [hbm4b:s2+s15], $0x40, s4, s15, $0xb8;
	[tilespmem:$0x14000] =	vst v63  }
0x1c: {  	p0 =	por p0, p0  }
0x1d: {  	[tilespmem:s13], [sflag:$0x1] =	stream.indirect.gather [hbm4b:s3+s15], $0x40, s11, s15, $0xb8;
	[tilespmem:$0x14000] =	vst v63  }
0x1e: {  	s0 =	simm.s32 @!p0 $0x4  }
0x1f: {  	[tilespmem:s14], [sflag:$0x1] =	stream.indirect.gather [hbm4b:s5+s15], $0x40, s11, s15, $0xb8;
	[tilespmem:$0x14000] =	vst v63  }
0x20: {  	_ =	swait.ge @!p0 [sflag:s0], $0x2000  }
0x21: {  	[sflag:s0] =	ssyncset.done @!p0 $0x0  }
0x22: {  	[sflag:s0] =	ssyncadd.s32 @!p0 $0xFFFFE000  }
0x23: {  	_ =	swait.ge @!p0 [sflag:s0], $0x2000  }
0x24: {  	[sflag:s0] =	ssyncset.done @!p0 $0x0  }
0x25: {  	[sflag:s0] =	ssyncadd.s32 @!p0 $0xFFFFE000  }
0x26: {  	_ =	swait.ge @!p0 [sflag:s0], $0x2000  }
0x27: {  	[sflag:s0] =	ssyncset.done @!p0 $0x0  }
0x28: {  	[sflag:s0] =	ssyncadd.s32 @!p0 $0xFFFFE000  }
0x29: {  	[tilespmem:s16], [sflag:$0x2] =	stream.indirect.gather [hbm4b:s2+s15], $0x40, s15, s15, $0xb8;
	[tilespmem:$0x14000] =	vst v63  }
0x2a: {  	s29 =	simm.s32 $0x4080  }
0x2b: {  	[tilespmem:s17], [sflag:$0x2] =	stream.indirect.gather [hbm4b:s3+s15], $0x40, s29, s15, $0xb8;
	[tilespmem:$0x14000] =	vst v63  }
0x2c: {  	_ = 	snop  }
0x2d: {  	[tilespmem:s18], [sflag:$0x2] =	stream.indirect.gather [hbm4b:s5+s15], $0x40, s29, s15, $0xb8;
	[tilespmem:$0x14000] =	vst v63  }
0x2e: {  	_ =	swait.ge [sflag:s19], $0x2000  }
0x2f: {  	[sflag:s19] =	ssyncset.done $0x0  }
0x30: {  	[sflag:s19] =	ssyncadd.s32 $0xFFFFE000  }
0x31: {  	_ =	swait.ge [sflag:s19], $0x2000  }
0x32: {  	[sflag:s19] =	ssyncset.done $0x0  }
0x33: {  	[sflag:s19] =	ssyncadd.s32 $0xFFFFE000  }
0x34: {  	_ =	swait.ge [sflag:s19], $0x2000  }
0x35: {  	s30 =	rddreg [dreg:$0x3];
	[sflag:s19] =	ssyncset.done $0x0  }
0x36: {  	s24 =	rddreg [dreg:$0x4];
	[sflag:s19] =	ssyncadd.s32 $0xFFFFE000;
	s0 =	sadd.s32 $0x0, s30  }
0x37: {  	[hbm4b:s0+s4] =	stream.linear.scatter [tilespmem:s12], [sflag:$0x3], $0x2000, $0x38;
	[tilespmem:$0x14000] =	vst v63  }
0x38: {  	p0 =	por $0x0, $0x0;
	s24 =	sadd.s32 $0x0, s24  }
0x39: {  	[hbm4b:s24+s4] =	stream.linear.scatter [tilespmem:s13], [sflag:$0x3], $0x2000, $0x38;
	[tilespmem:$0x14000] =	vst v63  }
0x3a: {  	s25 =	sadd.s32 $0x0, s9;
	s26 =	simm.s32 @!p0 $0x3  }
0x3b: {  	[hbm4b:s25+s4] =	stream.linear.scatter [tilespmem:s14], [sflag:$0x3], $0x2000, $0x38;
	[tilespmem:$0x14000] =	vst v63  }
0x3c: {  	_ =	swait.ge @!p0 [sflag:s26], $0x2000  }
0x3d: {  	[sflag:s26] =	ssyncset.done @!p0 $0x0  }
0x3e: {  	[sflag:s26] =	ssyncadd.s32 @!p0 $0xFFFFE000  }
0x3f: {  	_ =	swait.ge @!p0 [sflag:s26], $0x2000  }
0x40: {  	[sflag:s26] =	ssyncset.done @!p0 $0x0  }
0x41: {  	[sflag:s26] =	ssyncadd.s32 @!p0 $0xFFFFE000  }
0x42: {  	_ =	swait.ge @!p0 [sflag:s26], $0x2000  }
0x43: {  	s28 =	simm.s32 @!p0 $0x8000;
	[sflag:s26] =	ssyncset.done @!p0 $0x0  }
0x44: {  	s29 =	simm.s32 @!p0 $0x100;
	[sflag:s26] =	ssyncadd.s32 @!p0 $0xFFFFE000;
	s26 =	simm.s32 @!p0 $0x80  }
0x45: {  	[tilespmem:s28], [sflag:$0x1] =	stream.indirect.gather @!p0 [hbm4b:s2+s26], $0x40, s29, s26, $0xb8;
	[tilespmem:$0x14000] =	vst v63  }
0x46: {  	s28 =	simm.s32 @!p0 $0x4100;
	s29 =	simm.s32 @!p0 $0xA000  }
0x47: {  	[tilespmem:s29], [sflag:$0x1] =	stream.indirect.gather @!p0 [hbm4b:s3+s26], $0x40, s28, s26, $0xb8;
	[tilespmem:$0x14000] =	vst v63  }
0x48: {  	s29 =	simm.s32 @!p0 $0xC000  }
0x49: {  	[tilespmem:s29], [sflag:$0x1] =	stream.indirect.gather @!p0 [hbm4b:s5+s26], $0x40, s28, s26, $0xb8;
	[tilespmem:$0x14000] =	vst v63  }
0x4a: {  	_ =	swait.ge [sflag:s20], $0x2000  }
0x4b: {  	[sflag:s20] =	ssyncset.done $0x0  }
0x4c: {  	[sflag:s20] =	ssyncadd.s32 $0xFFFFE000  }
0x4d: {  	_ =	swait.ge [sflag:s20], $0x2000  }
0x4e: {  	[sflag:s20] =	ssyncset.done $0x0  }
0x4f: {  	[sflag:s20] =	ssyncadd.s32 $0xFFFFE000  }
0x50: {  	p6 =	por $0x0, $0x0;
	s0 =	sadd.s32 $0x400, s0;
	_ =	swait.ge [sflag:s20], $0x2000  }
0x51: {  	s31 =	sadd.s32 $0x400, s24;
	s24 =	simm.s32 $0x4180;
	[sflag:s20] =	ssyncset.done $0x0  }
0x52: {  	s26 =	simm.s32 $0x800;
	s28 =	simm.s32 $0x1000;
	[sflag:s20] =	ssyncadd.s32 $0xFFFFE000  }
0x53: {  	[hbm4b:s0+s4] =	stream.linear.scatter [tilespmem:s16], [sflag:$0x4], $0x2000, $0x38;
	[tilespmem:$0x14000] =	vst v63  }
0x54: {  	p0 =	por p6, p6;
	s0 =	sadd.s32 $0x400, s25;
	s25 =	simm.s32 $0x180  }
0x55: {  	[hbm4b:s31+s4] =	stream.linear.scatter [tilespmem:s17], [sflag:$0x4], $0x2000, $0x38;
	[tilespmem:$0x14000] =	vst v63  }
.LBB2_2:
0x56: {  	s29 =	simm.s32 @!p0 $0x4  }
0x57: {  	[hbm4b:s0+s4] =	stream.linear.scatter [tilespmem:s18], [sflag:$0x4], $0x2000, $0x38;
	[tilespmem:$0x14000] =	vst v63  }
0x58: {  	_ =	swait.ge @!p0 [sflag:s29], $0x2000  }
0x59: {  	[sflag:s29] =	ssyncset.done @!p0 $0x0  }
0x5a: {  	[sflag:s29] =	ssyncadd.s32 @!p0 $0xFFFFE000  }
0x5b: {  	_ =	swait.ge @!p0 [sflag:s29], $0x2000  }
0x5c: {  	[sflag:s29] =	ssyncset.done @!p0 $0x0  }
0x5d: {  	[sflag:s29] =	ssyncadd.s32 @!p0 $0xFFFFE000  }
0x5e: {  	_ =	swait.ge @!p0 [sflag:s29], $0x2000  }
0x5f: {  	[sflag:s29] =	ssyncset.done @!p0 $0x0  }
0x60: {  	[sflag:s29] =	ssyncadd.s32 @!p0 $0xFFFFE000  }
0x61: {  	[tilespmem:s16], [sflag:$0x2] =	stream.indirect.gather [hbm4b:s2+s15], $0x40, s25, s15, $0xb8;
	[tilespmem:$0x14000] =	vst v63  }
0x62: {  	_ = 	snop  }
0x63: {  	[tilespmem:s17], [sflag:$0x2] =	stream.indirect.gather [hbm4b:s3+s15], $0x40, s24, s15, $0xb8;
	[tilespmem:$0x14000] =	vst v63  }
0x64: {  	_ = 	snop  }
0x65: {  	[tilespmem:s18], [sflag:$0x2] =	stream.indirect.gather [hbm4b:s5+s15], $0x40, s24, s15, $0xb8;
	[tilespmem:$0x14000] =	vst v63  }
0x66: {  	_ =	swait.ge [sflag:s19], $0x2000  }
0x67: {  	[sflag:s19] =	ssyncset.done $0x0  }
0x68: {  	[sflag:s19] =	ssyncadd.s32 $0xFFFFE000  }
0x69: {  	_ =	swait.ge [sflag:s19], $0x2000  }
0x6a: {  	[sflag:s19] =	ssyncset.done $0x0  }
0x6b: {  	[sflag:s19] =	ssyncadd.s32 $0xFFFFE000  }
0x6c: {  	p2 =	seq.s32 s28, $0x0;
	_ =	swait.ge [sflag:s19], $0x2000  }
0x6d: {  	s30 =	smov.u32 s28;
	s7 =	rddreg [dreg:$0x3];
	[sflag:s19] =	ssyncset.done $0x0  }
0x6e: {  	s8 =	rddreg [dreg:$0x4];
	[sflag:s19] =	ssyncadd.s32 $0xFFFFE000;
	s31 =	sadd.s32 s26, s7  }
0x6f: {  	[hbm4b:s31+s4] =	stream.linear.scatter [tilespmem:s12], [sflag:$0x3], $0x2000, $0x38;
	[tilespmem:$0x14000] =	vst v63  }
0x70: {  	p0 =	por p2, p2;
	p2 =	seq.s32 s26, $0x1F800;
	s29 =	sadd.s32 s26, s8  }
0x71: {  	[hbm4b:s29+s4] =	stream.linear.scatter [tilespmem:s13], [sflag:$0x3], $0x2000, $0x38;
	[tilespmem:$0x14000] =	vst v63  }
0x72: {  	s0 =	sadd.s32 s26, s9;
	s26 =	smov.u32 s30;
	s30 =	simm.s32 @!p2 $0x3  }
0x73: {  	[hbm4b:s0+s4] =	stream.linear.scatter [tilespmem:s14], [sflag:$0x3], $0x2000, $0x38;
	[tilespmem:$0x14000] =	vst v63  }
0x74: {  	_ =	swait.ge @!p2 [sflag:s30], $0x2000  }
0x75: {  	[sflag:s30] =	ssyncset.done @!p2 $0x0  }
0x76: {  	[sflag:s30] =	ssyncadd.s32 @!p2 $0xFFFFE000  }
0x77: {  	_ =	swait.ge @!p2 [sflag:s30], $0x2000  }
0x78: {  	[sflag:s30] =	ssyncset.done @!p2 $0x0  }
0x79: {  	[sflag:s30] =	ssyncadd.s32 @!p2 $0xFFFFE000  }
0x7a: {  	_ =	swait.ge @!p2 [sflag:s30], $0x2000  }
0x7b: {  	s1 =	simm.s32 @!p2 $0x8000;
	[sflag:s30] =	ssyncset.done @!p2 $0x0  }
0x7c: {  	s6 =	sadd.s32 @!p2 $0x80, s25;
	s7 =	simm.s32 @!p2 $0x80;
	[sflag:s30] =	ssyncadd.s32 @!p2 $0xFFFFE000  }
0x7d: {  	[tilespmem:s1], [sflag:$0x1] =	stream.indirect.gather @!p2 [hbm4b:s2+s7], $0x40, s6, s7, $0xb8;
	[tilespmem:$0x14000] =	vst v63  }
0x7e: {  	s8 =	simm.s32 @!p2 $0xA000;
	s30 =	sadd.s32 @!p2 $0x80, s24  }
0x7f: {  	[tilespmem:s8], [sflag:$0x1] =	stream.indirect.gather @!p2 [hbm4b:s3+s7], $0x40, s30, s7, $0xb8;
	[tilespmem:$0x14000] =	vst v63  }
0x80: {  	s1 =	simm.s32 @!p2 $0xC000  }
0x81: {  	[tilespmem:s1], [sflag:$0x1] =	stream.indirect.gather @!p2 [hbm4b:s5+s7], $0x40, s30, s7, $0xb8;
	[tilespmem:$0x14000] =	vst v63  }
0x82: {  	_ =	swait.ge [sflag:s20], $0x2000  }
0x83: {  	[sflag:s20] =	ssyncset.done $0x0  }
0x84: {  	[sflag:s20] =	ssyncadd.s32 $0xFFFFE000  }
0x85: {  	_ =	swait.ge [sflag:s20], $0x2000  }
0x86: {  	[sflag:s20] =	ssyncset.done $0x0  }
0x87: {  	s28 =	sadd.s32 $0x800, s28;
	[sflag:s20] =	ssyncadd.s32 $0xFFFFE000  }
0x88: {  	p1 =	sne.s32 s28, $0x20000;
	_ =	swait.ge [sflag:s20], $0x2000  }
.Ltmp0:
0x89: {  	[sflag:s20] =	ssyncset.done $0x0;
	(pc) =	sbr.rel @p1 .LBB2_2-.Ltmp0, $4  }
0x8a: {  	s25 =	sadd.s32 $0x100, s25;
	s30 =	sadd.s32 $0x400, s31;
	[sflag:s20] =	ssyncadd.s32 $0xFFFFE000  }
0x8b: {  	[hbm4b:s30+s4] =	stream.linear.scatter [tilespmem:s16], [sflag:$0x4], $0x2000, $0x38;
	[tilespmem:$0x14000] =	vst v63  }
0x8c: {  	s0 =	sadd.s32 $0x400, s0;
	s24 =	sadd.s32 $0x100, s24;
	s31 =	sadd.s32 $0x400, s29  }
0x8d: {  	[hbm4b:s31+s4] =	stream.linear.scatter [tilespmem:s17], [sflag:$0x4], $0x2000, $0x38;
	[tilespmem:$0x14000] =	vst v63  }
0x8e: {  	s1 =	simm.s32 @!p0 $0x4  }
0x8f: {  	[hbm4b:s0+s4] =	stream.linear.scatter [tilespmem:s18], [sflag:$0x4], $0x2000, $0x38;
	[tilespmem:$0x14000] =	vst v63  }
0x90: {  	_ =	swait.ge @!p0 [sflag:s1], $0x2000  }
0x91: {  	[sflag:s1] =	ssyncset.done @!p0 $0x0  }
0x92: {  	[sflag:s1] =	ssyncadd.s32 @!p0 $0xFFFFE000  }
0x93: {  	_ =	swait.ge @!p0 [sflag:s1], $0x2000  }
0x94: {  	[sflag:s1] =	ssyncset.done @!p0 $0x0  }
0x95: {  	[sflag:s1] =	ssyncadd.s32 @!p0 $0xFFFFE000  }
0x96: {  	_ =	swait.ge @!p0 [sflag:s1], $0x2000  }
0x97: {  	[sflag:s1] =	ssyncset.done @!p0 $0x0  }
0x98: {  	[sflag:s1] =	ssyncadd.s32 @!p0 $0xFFFFE000  }
0x99: {  	[tilespmem:s16], [sflag:$0x2] =	stream.indirect.gather [hbm4b:s2+s15], $0x40, s25, s15, $0xb8;
	[tilespmem:$0x14000] =	vst v63  }
0x9a: {  	_ = 	snop  }
0x9b: {  	[tilespmem:s17], [sflag:$0x2] =	stream.indirect.gather [hbm4b:s3+s15], $0x40, s24, s15, $0xb8;
	[tilespmem:$0x14000] =	vst v63  }
0x9c: {  	_ = 	snop  }
0x9d: {  	[tilespmem:s18], [sflag:$0x2] =	stream.indirect.gather [hbm4b:s5+s15], $0x40, s24, s15, $0xb8;
	[tilespmem:$0x14000] =	vst v63  }
0x9e: {  	_ =	swait.ge [sflag:s19], $0x2000  }
0x9f: {  	[sflag:s19] =	ssyncset.done $0x0  }
0xa0: {  	[sflag:s19] =	ssyncadd.s32 $0xFFFFE000  }
0xa1: {  	_ =	swait.ge [sflag:s19], $0x2000  }
0xa2: {  	[sflag:s19] =	ssyncset.done $0x0  }
0xa3: {  	[sflag:s19] =	ssyncadd.s32 $0xFFFFE000  }
0xa4: {  	_ =	swait.ge [sflag:s19], $0x2000  }
0xa5: {  	s8 =	rddreg [dreg:$0x3];
	[sflag:s19] =	ssyncset.done $0x0  }
0xa6: {  	s28 =	rddreg [dreg:$0x4];
	[sflag:s19] =	ssyncadd.s32 $0xFFFFE000;
	s0 =	sadd.s32 s26, s8  }
0xa7: {  	[hbm4b:s0+s4] =	stream.linear.scatter [tilespmem:s12], [sflag:$0x3], $0x2000, $0x38;
	[tilespmem:$0x14000] =	vst v63  }
0xa8: {  	p0 =	seq.s32 s26, $0x1F800;
	s1 =	sadd.s32 s26, s28  }
0xa9: {  	[hbm4b:s1+s4] =	stream.linear.scatter [tilespmem:s13], [sflag:$0x3], $0x2000, $0x38;
	[tilespmem:$0x14000] =	vst v63  }
0xaa: {  	s6 =	sadd.s32 s26, s9;
	s7 =	simm.s32 @!p0 $0x3  }
0xab: {  	[hbm4b:s6+s4] =	stream.linear.scatter [tilespmem:s14], [sflag:$0x3], $0x2000, $0x38;
	[tilespmem:$0x14000] =	vst v63  }
0xac: {  	_ =	swait.ge @!p0 [sflag:s7], $0x2000  }
0xad: {  	[sflag:s7] =	ssyncset.done @!p0 $0x0  }
0xae: {  	[sflag:s7] =	ssyncadd.s32 @!p0 $0xFFFFE000  }
0xaf: {  	_ =	swait.ge @!p0 [sflag:s7], $0x2000  }
0xb0: {  	[sflag:s7] =	ssyncset.done @!p0 $0x0  }
0xb1: {  	[sflag:s7] =	ssyncadd.s32 @!p0 $0xFFFFE000  }
0xb2: {  	_ =	swait.ge @!p0 [sflag:s7], $0x2000  }
0xb3: {  	s25 =	sadd.s32 @!p0 $0x80, s25;
	[sflag:s7] =	ssyncset.done @!p0 $0x0  }
0xb4: {  	s8 =	simm.s32 @!p0 $0x8000;
	s26 =	simm.s32 @!p0 $0x80;
	[sflag:s7] =	ssyncadd.s32 @!p0 $0xFFFFE000  }
0xb5: {  	[tilespmem:s8], [sflag:$0x1] =	stream.indirect.gather @!p0 [hbm4b:s2+s26], $0x40, s25, s26, $0xb8;
	[tilespmem:$0x14000] =	vst v63  }
0xb6: {  	s7 =	sadd.s32 @!p0 $0x80, s24;
	s8 =	simm.s32 @!p0 $0xA000  }
0xb7: {  	[tilespmem:s8], [sflag:$0x1] =	stream.indirect.gather @!p0 [hbm4b:s3+s26], $0x40, s7, s26, $0xb8;
	[tilespmem:$0x14000] =	vst v63  }
0xb8: {  	s8 =	simm.s32 @!p0 $0xC000  }
0xb9: {  	[tilespmem:s8], [sflag:$0x1] =	stream.indirect.gather @!p0 [hbm4b:s5+s26], $0x40, s7, s26, $0xb8;
	[tilespmem:$0x14000] =	vst v63  }
0xba: {  	_ =	swait.ge [sflag:s20], $0x2000  }
0xbb: {  	[sflag:s20] =	ssyncset.done $0x0  }
0xbc: {  	[sflag:s20] =	ssyncadd.s32 $0xFFFFE000  }
0xbd: {  	_ =	swait.ge [sflag:s20], $0x2000  }
0xbe: {  	[sflag:s20] =	ssyncset.done $0x0  }
0xbf: {  	[sflag:s20] =	ssyncadd.s32 $0xFFFFE000  }
0xc0: {  	_ =	swait.ge [sflag:s20], $0x2000  }
0xc1: {  	[sflag:s20] =	ssyncset.done $0x0  }
0xc2: {  	s0 =	sadd.s32 $0x400, s0;
	[sflag:s20] =	ssyncadd.s32 $0xFFFFE000  }
0xc3: {  	[hbm4b:s0+s4] =	stream.linear.scatter [tilespmem:s16], [sflag:$0x4], $0x2000, $0x38;
	[tilespmem:$0x14000] =	vst v63  }
0xc4: {  	s29 =	sadd.s32 $0x400, s1  }
0xc5: {  	[hbm4b:s29+s4] =	stream.linear.scatter [tilespmem:s17], [sflag:$0x4], $0x2000, $0x38;
	[tilespmem:$0x14000] =	vst v63  }
0xc6: {  	s30 =	sadd.s32 $0x400, s6  }
0xc7: {  	[hbm4b:s30+s4] =	stream.linear.scatter [tilespmem:s18], [sflag:$0x4], $0x2000, $0x38;
	[tilespmem:$0x14000] =	vst v63  }
0xc8: {  	_ =	swait.ge [sflag:s21], $0x2000  }
0xc9: {  	[sflag:s21] =	ssyncset.done $0x0  }
0xca: {  	[sflag:s21] =	ssyncadd.s32 $0xFFFFE000  }
0xcb: {  	_ =	swait.ge [sflag:s21], $0x2000  }
0xcc: {  	[sflag:s21] =	ssyncset.done $0x0  }
0xcd: {  	[sflag:s21] =	ssyncadd.s32 $0xFFFFE000  }
0xce: {  	_ =	swait.ge [sflag:s21], $0x2000  }
0xcf: {  	[sflag:s21] =	ssyncset.done $0x0  }
0xd0: {  	[sflag:s21] =	ssyncadd.s32 $0xFFFFE000  }
0xd1: {  	_ =	swait.ge [sflag:s22], $0x2000  }
0xd2: {  	[sflag:s22] =	ssyncset.done $0x0  }
0xd3: {  	[sflag:s22] =	ssyncadd.s32 $0xFFFFE000  }
0xd4: {  	_ =	swait.ge [sflag:s22], $0x2000  }
0xd5: {  	[sflag:s22] =	ssyncset.done $0x0  }
0xd6: {  	[sflag:s22] =	ssyncadd.s32 $0xFFFFE000  }
0xd7: {  	_ =	swait.ge [sflag:s22], $0x2000  }
0xd8: {  	s23 =	sadd.s32 $0x1, s23;
	s31 =	rddreg [dreg:$0x7]  }
0xd9: {  	p0 =	sne.s32 s23, s31  }
.Ltmp1:
0xda: {  	_ = 	snop;
	(pc) =	sbr.rel @p0 .LBB2_1-.Ltmp1, $3  }
0xdb: {  	_ =	sdelay $0x1  }
0xdc: {  	[sflag:s22] =	ssyncset.done $0x0  }
0xdd: {  	[sflag:s22] =	ssyncadd.s32 $0xFFFFE000  }
0xde: {  	_ =	sfence.sel $0x180000  }
0xdf: {  	[bflag:$0x0] =	sbarrier.arrive $0xFFFF  }
0xe0: {  	_ =	strace $0x90000047  }
0xe1: {  	s0 =	stileid.u32;
	[bflag:$0x2] =	sbarrier.arrive $0xFFFF  }
0xe2: {  	p0 =	sne.s32 s0, $0x0;
	s0 =	rddreg [dreg:$0x2]  }
0xe3: {  	s0 =	sadd.s32 @!p0 $0x100000, s0  }
0xe4: {  	[sflag:s0] =	ssyncadd.tile.s32 @!p0 $0x1;
	_ =	shalt  }
.Lfunc_end2:
_tile_overlayer_lowered:
.L_overlay_start_2:
0xe5: {  	(tag) =	ssettag $0x2  }
0xe6: {  	s0 =	rddreg [dreg:$0x0];
	s2 =	stileid.u32  }
0xe7: {  	s1 =	rddreg [dreg:$0x1];
	p0 =	sne.s32 s2, $0x0  }
0xe8: {  	s3 =	rddreg [dreg:$0x2];
	[bflag:$0x3] =	sbarrier.arrive $0xFFFF;
	s2 =	simm.s32 @!p0 $0x1C05  }
0xe9: {  	[timem:s3], [sflag:s2] =	dma.local @!p0 [hbm:s0], s1  }
0xea: {  	s0 =	simm.s32 @!p0 $0x5  }
0xeb: {  	_ =	swait.ge @!p0 [sflag:s0], s1  }
0xec: {  	s1 =	ssub.s32 @!p0 $0x0, s1;
	[sflag:s0] =	ssyncset.done @!p0 $0x0  }
0xed: {  	[sflag:s0] =	ssyncadd.s32 @!p0 s1  }
0xee: {  	[bflag:$0x3] =	sbarrier.arrive $0xFFFF  }
0xef: {  	_ =	shalt  }

// kernel: kernel.9.cloned.1.call-start
scs
__scs_entry_jumppad:
0x0: {  	(pc) =	sbr.rel $0x88, $3  }
0x1: {  	(tag) =	ssettag $0x0;
	lr =	simm.s32 $0x1  }
0x2: {  	[smem:$0x3F9C] =	sst lr;
	_ =	strace $0xD0000000  }
0x3: {  	_ = 	snop  }
0x4: {  	_ = 	snop  }
0x5: {  	_ = 	snop  }
0x6: {  	_ = 	snop  }
0x7: {  	_ = 	snop  }
__scs_overlays_trampoline_lowered:
0x8: {  	[smem:$0x3FAB] =	sst s0  }
0x9: {  	[smem:$0x3FAC] =	sst s1  }
0xa: {  	[smem:$0x3FAD] =	sst s2  }
0xb: {  	[smem:$0x3FAE] =	sst s3  }
0xc: {  	[smem:$0x3FAF] =	sst s4  }
0xd: {  	[smem:$0x3FB0] =	sst s5  }
0xe: {  	[smem:$0x3FB1] =	sst s6  }
0xf: {  	[smem:$0x3FB2] =	sst s7  }
0x10: {  	[smem:$0x3FB3] =	sst s8  }
0x11: {  	[smem:$0x3FB4] =	sst s9;
	s0 =	simm.s32 @!p0 $0x0  }
0x12: {  	s1 =	sld [smem:$0x3F9A];
	s0 =	simm.s32 @p0 $0x1  }
0x13: {  	[smem:$0x3FB5] =	sst s0;
	s0 =	simm.s32 @!p1 $0x0  }
0x14: {  	s2 =	sld [smem:$0x3F99];
	s0 =	simm.s32 @p1 $0x1  }
0x15: {  	[smem:$0x3FB6] =	sst s0;
	s0 =	simm.s32 @!p2 $0x0  }
0x16: {  	s3 =	sld [smem:$0x3FDB];
	s0 =	simm.s32 @p2 $0x1  }
0x17: {  	s4 =	simm.s32 $0x1BF5;
	[smem:$0x3FB8] =	sst s0  }
0x18: {  	s0 =	sld [smem:$0x3F9B];
	_ =	swait.ge [sflag:s4], $0x0  }
0x19: {  	s7 =	sld [smem:$0x3F9C]  }
0x1a: {  	s8 =	sadd.s32 $0xFFFFE003, lr  }
0x1b: {  	s9 =	sadd.s32 $0xFFFFFEF7, lr;
	s5 =	simm.s32 $0xFFFFFFFF;
	p2 =	slt.u32 s8, $0xFFFFF086  }
0x1c: {  	p1 =	slt.u32 s9, $0xF7A;
	s5 =	simm.s32 @!p2 $0x0  }
0x1d: {  	s5 =	simm.s32 @p1 $0x1;
	p0 =	seq.s32 s7, s2  }
0x1e: {  	s7 =	smul.u32 @!p0 $0xF7A, s2;
	p2 =	seq.s32 @!p0 s5, $0x0  }
0x1f: {  	s9 =	smul.u32 $0xF7A, s1;
	s8 =	simm.s32 @!p0 $0x1BF5;
	p2 =	por !p2, p0  }
0x20: {  	[sflag:s8] =	ssyncset.s32 @!p0 $0xFFFFF086;
	s6 =	sadd.s32 @!p0 s3, s7;
	s7 =	simm.s32 @!p0 $0x108  }
0x21: {  	s3 =	sadd.s32 s3, s9;
	s6 =	sadd.s32 @!p0 $0x88, s6;
	s7 =	simm.s32 @p2 $0x1082  }
0x22: {  	[simem:s7], [sflag:s8] =	dma.local @!p0 [hbm:s6], $0xF7A  }
0x23: {  	s9 =	sor.u32 $0xD0000000, s2;
	s6 =	simm.s32 $0x108;
	_ =	swait.ge @!p0 [sflag:s8], $0x0  }
0x24: {  	s3 =	sadd.s32 $0x88, s3;
	s6 =	simm.s32 @!p1 $0x1082;
	[sflag:s4] =	ssyncset.s32 $0xFFFFF086  }
0x25: {  	[simem:s6], [sflag:s4] =	dma.local [hbm:s3], $0xF7A  }
0x26: {  	[smem:$0x3F9C] =	sst s1;
	(tag) =	ssettag s2;
	_ =	strace s9  }
0x27: {  	s1 =	sld [smem:$0x3FAC]  }
0x28: {  	s2 =	sld [smem:$0x3FAD]  }
0x29: {  	s4 =	sld [smem:$0x3FAF]  }
0x2a: {  	p0 =	seq.s32 s5, $0x0;
	s5 =	sld [smem:$0x3FB0]  }
0x2b: {  	s6 =	sld [smem:$0x3FB1]  }
0x2c: {  	s7 =	sld [smem:$0x3FB2]  }
0x2d: {  	s3 =	simm.s32 $0x108;
	s8 =	sld [smem:$0x3FB3]  }
0x2e: {  	s3 =	simm.s32 @!p0 $0x1082;
	s9 =	sld [smem:$0x3FB4]  }
0x2f: {  	lr =	sadd.s32 s0, s3;
	s0 =	sld [smem:$0x3FAB]  }
0x30: {  	s3 =	sld [smem:$0x3FAE]  }
0x31: {  	[smem:$0x3FB7] =	sst s10  }
0x32: {  	s10 =	sld [smem:$0x3FB5];
	_ =	sdelay $0x3  }
0x33: {  	p0 =	seq.s32 s10, $0x1;
	s10 =	sld [smem:$0x3FB7];
	_ =	sdelay $0x3  }
0x34: {  	[smem:$0x3FB7] =	sst s10  }
0x35: {  	s10 =	sld [smem:$0x3FB6];
	_ =	sdelay $0x3  }
0x36: {  	p1 =	seq.s32 s10, $0x1;
	s10 =	sld [smem:$0x3FB7];
	_ =	sdelay $0x3  }
0x37: {  	[smem:$0x3FB7] =	sst s10  }
0x38: {  	s10 =	sld [smem:$0x3FB8]  }
0x39: {  	_ = 	snop;
	(pc) =	sbr.ind lr, $3  }
0x3a: {  	_ = 	snop  }
0x3b: {  	_ = 	snop  }
0x3c: {  	p2 =	seq.s32 s10, $0x1;
	s10 =	sld [smem:$0x3FB7]  }
0x3d: {  	_ =	shalt  }
0x3e: {  	_ =	shalt  }
0x3f: {  	_ =	shalt  }
0x40: {  	_ =	shalt  }
0x41: {  	_ =	shalt  }
0x42: {  	_ =	shalt  }
0x43: {  	_ =	shalt  }
0x44: {  	_ =	shalt  }
0x45: {  	_ =	shalt  }
0x46: {  	_ =	shalt  }
0x47: {  	_ =	shalt  }
0x48: {  	_ =	shalt  }
0x49: {  	_ =	shalt  }
0x4a: {  	_ =	shalt  }
0x4b: {  	_ =	shalt  }
0x4c: {  	_ =	shalt  }
0x4d: {  	_ =	shalt  }
0x4e: {  	_ =	shalt  }
0x4f: {  	_ =	shalt  }
0x50: {  	_ =	shalt  }
0x51: {  	_ =	shalt  }
0x52: {  	_ =	shalt  }
0x53: {  	_ =	shalt  }
0x54: {  	_ =	shalt  }
0x55: {  	_ =	shalt  }
0x56: {  	_ =	shalt  }
0x57: {  	_ =	shalt  }
0x58: {  	_ =	shalt  }
0x59: {  	_ =	shalt  }
0x5a: {  	_ =	shalt  }
0x5b: {  	_ =	shalt  }
0x5c: {  	_ =	shalt  }
0x5d: {  	_ =	shalt  }
0x5e: {  	_ =	shalt  }
0x5f: {  	_ =	shalt  }
0x60: {  	_ =	shalt  }
0x61: {  	_ =	shalt  }
0x62: {  	_ =	shalt  }
0x63: {  	_ =	shalt  }
0x64: {  	_ =	shalt  }
0x65: {  	_ =	shalt  }
0x66: {  	_ =	shalt  }
0x67: {  	_ =	shalt  }
0x68: {  	_ =	shalt  }
0x69: {  	_ =	shalt  }
0x6a: {  	_ =	shalt  }
0x6b: {  	_ =	shalt  }
0x6c: {  	_ =	shalt  }
0x6d: {  	_ =	shalt  }
0x6e: {  	_ =	shalt  }
0x6f: {  	_ =	shalt  }
0x70: {  	_ =	shalt  }
0x71: {  	_ =	shalt  }
0x72: {  	_ =	shalt  }
0x73: {  	_ =	shalt  }
0x74: {  	_ =	shalt  }
0x75: {  	_ =	shalt  }
0x76: {  	_ =	shalt  }
0x77: {  	_ =	shalt  }
0x78: {  	_ =	shalt  }
0x79: {  	_ =	shalt  }
0x7a: {  	_ =	shalt  }
0x7b: {  	_ =	shalt  }
0x7c: {  	_ =	shalt  }
0x7d: {  	_ =	shalt  }
0x7e: {  	_ =	shalt  }
0x7f: {  	_ =	shalt  }
0x80: {  	_ =	shalt  }
0x81: {  	_ =	shalt  }
0x82: {  	_ =	shalt  }
0x83: {  	_ =	shalt  }
0x84: {  	_ =	shalt  }
0x85: {  	_ =	shalt  }
0x86: {  	_ =	shalt  }
0x87: {  	_ =	shalt  }
.Lfunc_end0:
.L_simem_size_0:
called_computation.2_lowered:
.L_overlay_start_0:
0x88: {  	s2 =	sld [smem:$0x3FD9]  }
0x89: {  	s3 =	sld [smem:$0x3FFE];
	_ =	sdelay $0x1  }
0x8a: {  	s1 =	srdreg.scid  }
0x8b: {  	s0 =	sand.u32 $0x1, s1  }
0x8c: {  	s17 =	sshll.u32 s0, $0xA;
	s2 =	sadd.s32 s3, s2  }
0x8d: {  	s2 =	sadd.s32 s2, s17  }
0x8e: {  	[smem:$0x3FC3] =	sst s2  }
0x8f: {  	_ = 	snop  }
0x90: {  	s2 =	sld [smem:$0x3FD0];
	(tm) =	ssettm $0x1  }
0x91: {  	s18 =	sld [smem:$0x3FFB];
	_ =	sdelay $0x3  }
0x92: {  	_ =	strace s18  }
0x93: {  	s3 =	sld [smem:$0x3FFC];
	_ =	sdelay $0x3  }
0x94: {  	_ =	strace s3  }
0x95: {  	s3 =	sld [smem:$0x3FFD];
	_ =	sdelay $0x3  }
0x96: {  	_ =	strace s3  }
0x97: {  	_ =	strace $0x8FFFFFFF  }
0x98: {  	s19 =	sld [smem:$0x3FDB];
	_ =	sdelay $0x1  }
0x99: {  	s4 =	simm.s32 $_scs_section_size  }
0x9a: {  	s5 =	simm.s32 $_size__tile_overlayer_lowered;
	s6 =	simm.s32 $_tile_overlayer_lowered  }
0x9b: {  	s22 =	simm.s32 $0x1BFF;
	s21 =	sshll.u32 s6, $0x1;
	s3 =	sadd.s32 s4, s19  }
0x9c: {  	s7 =	simm.s32 $0x0;
	s20 =	sshll.u32 s5, $0x1;
	s5 =	sadd.s32 s21, s3  }
0x9d: {  	[timem:s7], [sflag:s22] =	dma.local [hbm:s5], s20  }
0x9e: {  	_ =	swait.ge [sflag:s22], s20  }
0x9f: {  	s4 =	ssub.s32 $0x0, s20;
	[sflag:s22] =	ssyncset.done $0x0  }
0xa0: {  	[sflag:s22] =	ssyncadd.s32 s4;
	_ =	sdelay $0x1  }
0xa1: {  	s23 =	simm.s32 $0x1B8B  }
0xa2: {  	_ =	swait.ge [sflag:s23], $0x1  }
0xa3: {  	[sflag:s23] =	ssyncset.done $0x0  }
0xa4: {  	s25 =	simm.s32 $0x1B8E;
	s24 =	sld [smem:$0x3FFE];
	[sflag:s23] =	ssyncadd.s32 $0xFFFFFFFF  }
0xa5: {  	s26 =	simm.s32 $execute0_lowered;
	[smem:$0x3FD2] =	sst s25  }
0xa6: {  	s5 =	sshll.u32 s26, $0x1;
	_ =	strace $0x80000049;
	[dreg:$0x1] =	wrdreg $0xFFFFFFFF  }
0xa7: {  	s28 =	simm.s32 $_size_execute0_lowered;
	s3 =	sadd.s32 s3, s5;
	[dreg:$0x0] =	wrdreg $0x0  }
0xa8: {  	s5 =	sshll.u32 s28, $0x1;
	[dreg:$0x2] =	wrdreg s3  }
0xa9: {  	[dreg:$0x3] =	wrdreg s5  }
0xaa: {  	[dreg:$0x4] =	wrdreg $0xC0  }
0xab: {  	_ =	task [dreg:s7], $0x5FFFF  }
0xac: {  	[dreg:$0x1] =	wrdreg $0xFFFFFFFF  }
0xad: {  	[dreg:$0x0] =	wrdreg $0x60  }
0xae: {  	[dreg:$0x2] =	wrdreg s24  }
0xaf: {  	[dreg:$0x3] =	wrdreg s2  }
0xb0: {  	[dreg:$0x4] =	wrdreg $0x9  }
0xb1: {  	_ =	task.clear_ibuf [dreg:s7], $0x5FFFF;
	_ =	strace $0x90000049  }
0xb2: {  	s29 =	simm.s32 $0x9;
	_ =	strace $0x8000004B  }
0xb3: {  	_ =	swait.ge [sflag:s29], $0x1  }
0xb4: {  	[sflag:s29] =	ssyncadd.s32 $0xFFFFFFFF  }
0xb5: {  	_ =	strace $0x9000004B  }
0xb6: {  	_ =	sfence  }
0xb7: {  	s30 =	sld [smem:$0x0];
	_ =	sdelay $0x2  }
0xb8: {  	s31 =	sshll.u32 s1, $0xD;
	s1 =	sshrl.u32 s1, $0x2  }
0xb9: {  	s3 =	sand.u32 $0x4000, s31;
	s1 =	sadd.s32 s1, s30  }
0xba: {  	s0 =	sor.u32 s3, s0;
	s1 =	sshll.u32 s1, $0x11  }
0xbb: {  	s0 =	sor.u32 s1, s0  }
0xbc: {  	s0 =	sadd.s32 $0x8F2B, s0  }
0xbd: {  	[sflag:s0] =	ssyncadd.remote.s32 $0x1  }
0xbe: {  	_ =	sfence.sel $0xFFFF  }
0xbf: {  	[dreg:$0x0] =	wrdreg $0xFFFFFFFF;
	(pc) =	sbr.abs _section_cstart, $3  }
0xc0: {  	[dreg:$0x1] =	wrdreg $0xFFFFFFFF  }
0xc1: {  	_ =	task.clear_ibuf [dreg:s7], $0x2FFFF;
	_ =	strace $0x9FFFFFFF  }
0xc2: {  	(tm) =	ssettm $0x7FFFFFFF  }
0xc3: {  	_ =	shalt  }
tec
execute0_lowered:
.L_overlay_start_1:
0x0: {  	(tag) =	ssettag $0x1  }
0x1: {  	s1 =	rddreg [dreg:$0x0]  }
0x2: {  	s2 =	rddreg [dreg:$0x1];
	s3 =	simm.s32 $0x0  }
0x3: {  	s0 =	srdreg.scid;
	s10 =	stileid.u32;
	s12 =	simm.s32 $0x5  }
0x4: {  	s13 =	simm.s32 $0x1000;
	s14 =	simm.s32 $0x2000;
	s15 =	simm.s32 $0x4000  }
0x5: {  	s16 =	simm.s32 $0x80;
	s17 =	simm.s32 $0x3000;
	s18 =	simm.s32 $0x5000  }
0x6: {  	s19 =	simm.s32 $0x3080;
	s20 =	simm.s32 $0x7000;
	s21 =	simm.s32 $0x1  }
0x7: {  	s22 =	simm.s32 $0x3;
	s23 =	simm.s32 $0x3100;
	s24 =	simm.s32 $0x2  }
0x8: {  	s25 =	simm.s32 $0x4;
	s26 =	simm.s32 $0x3F80;
	[smem:$0x7FF] =	sst s3  }
0x9: {  	s0 =	sand.u32 $0x1, s0;
	s5 =	sadd.s32 $0x430000, s1;
	s6 =	sadd.s32 $0x440000, s1  }
0xa: {  	s28 =	sshll.u32 s10, $0x3;
	s10 =	sshll.u32 s10, $0x12;
	s4 =	ssub.s32 $0x2, s0  }
0xb: {  	s9 =	sshll.u32 s0, $0x2;
	s0 =	sshll.u32 s0, $0x11;
	s29 =	sadd.s32 s10, s6  }
0xc: {  	s8 =	sshrl.u32 s4, $0x1;
	s10 =	sor.u32 s0, s10;
	s0 =	sadd.s32 s0, s29  }
0xd: {  	_ =	strace $0x8000004A;
	s4 =	ssub.s32 s4, s8;
	s0 =	sadd.s32 $0x800, s0  }
0xe: {  	s30 =	sadd.s32 s10, s6;
	s4 =	smax.u32 s4, $0x1;
	[dreg:$0x4] =	wrdreg s0  }
0xf: {  	s7 =	sadd.s32 $0x400000, s1;
	s31 =	sadd.s32 $0xC00, s30;
	[dreg:$0x3] =	wrdreg s4  }
0x10: {  	v0 =	vlaneseq.u32;
	s8 =	sor.u32 s9, s28;
	[dreg:$0x5] =	wrdreg s31;
	s4 =	simm.s32 $0x0  }
.LBB2_1:
0x11: {  	[dreg:$0x6] =	wrdreg s4  }
0x12: {  	s29 =	rddreg [dreg:$0x5]  }
0x13: {  	s30 =	rddreg [dreg:$0x4];
	s31 =	simm.s32 $0x0  }
.LBB2_2:
0x14: {  	s0 =	sadd.s32 s8, s31  }
0x15: {  	s4 =	sshll.u32 s0, $0x9  }
0x16: {  	s9 =	simm.s32 $0x0;
	s10 =	sadd.s32 s5, s4  }
0x17: {  	[tilespmem:s9], [sflag:$0x5] =	stream.linear.gather [hbm4b:s10+s9], $0x1000, $0x38;
	[tilespmem:$0x9000] =	vst v63  }
0x18: {  	_ =	swait.ge [sflag:s12], $0x1000  }
0x19: {  	[sflag:s12] =	ssyncset.done $0x0  }
0x1a: {  	s28 =	sadd.s32 s2, s4;
	[sflag:s12] =	ssyncadd.s32 $0xFFFFF000  }
0x1b: {  	[tilespmem:s13], [sflag:$0x5] =	stream.linear.gather [hbm4b:s28+s9], $0x1000, $0x38;
	[tilespmem:$0x9000] =	vst v63  }
0x1c: {  	_ =	swait.ge [sflag:s12], $0x1000  }
0x1d: {  	[sflag:s12] =	ssyncset.done $0x0  }
0x1e: {  	[sflag:s12] =	ssyncadd.s32 $0xFFFFF000  }
0x1f: {  	s11 =	simm.s32 $0x0;
	s10 =	simm.s32 $0x10;
	v1 =	vld [tilespmem:s9+$0x0]  }
.LBB2_3:
0x20: {  	p0 =	seq.s32 s10, $0xFF0;
	_ =	sdelay $0x3  }
.Ltmp0:
0x21: {  	(pc) =	sbr.rel @!p0 .LBB2_3-.Ltmp0, $4  }
0x22: {  	_ = 	snop  }
0x23: {  	v2 =	vor.u32 s9, v0;
	s9 =	smov.u32 s10  }
0x24: {  	s11 =	sadd.s32 $0x10, s11;
	[tilespmem:v1+s14+$0x0] =	vst.idx.msk $0xffff, v2  }
0x25: {  	s10 =	sadd.s32 $0x10, s10;
	v1 =	vld [tilespmem:s11+$0x0]  }
0x26: {  	_ =	sdelay $0x6  }
0x27: {  	v2 =	vor.u32 s9, v0  }
0x28: {  	s10 =	simm.s32 $0x0;
	[tilespmem:v1+s14+$0x0] =	vst.idx.msk $0xffff, v2  }
0x29: {  	v3 =	vld [tilespmem:s10+$0x2000];
	_ =	sdelay $0x4  }
0x2a: {  	v2 =	vshll.u32 v3, $0x6  }
0x2b: {  	s9 =	simm.s32 $0x10;
	v4 =	vand.u32 $0xFFFFFF80, v3;
	v5 =	vshrl.u32 v3, $0x1;
	v2 =	vand.u32 $0x40, v2  }
0x2c: {  	v5 =	vand.u32 $0x3F, v5;
	v4 =	vor.u32 v4, v2;
	v2 =	vld [tilespmem:s9+$0x2000]  }
0x2d: {  	v4 =	vor.u32 v5, v4;
	_ =	sdelay $0x1  }
0x2e: {  	s11 =	sshll.u32 s0, $0xC  }
0x2f: {  	v1 =	vmov s11  }
0x30: {  	v7 =	vadd.s32 v1, v3;
	v6 =	vshll.u32 v2, $0x6  }
0x31: {  	s28 =	simm.s32 $0xC0;
	s11 =	simm.s32 $0x20;
	v5 =	vshrl.u32 v2, $0x1;
	v3 =	vld.idx.msk [tilespmem:v4+s13+$0x0], $0xffff;
	v4 =	vand.u32 $0xFFFFFF80, v2;
	v6 =	vand.u32 $0x40, v6;
	[tilespmem:s10+$0x3000] =	vst v7  }
.LBB2_5:
0x32: {  	p0 =	sne.s32 s28, $0x3FC0;
	v7 =	vld [tilespmem:s11+$0x2000];
	v4 =	vor.u32 v4, v6;
	v5 =	vand.u32 $0x3F, v5  }
0x33: {  	v8 =	vor.u32 v5, v4  }
.Ltmp1:
0x34: {  	(pc) =	sbr.rel @p0 .LBB2_5-.Ltmp1, $3  }
0x35: {  	_ =	sdelay $0x1  }
0x36: {  	v9 =	vadd.s32 v1, v2;
	v6 =	vshll.u32 v7, $0x6;
	[tilespmem:s10+$0x4000] =	vst v3;
	v2 =	vmov v7;
	s10 =	smov.u32 s9;
	s9 =	smov.u32 s11  }
0x37: {  	s11 =	sshra.s32 s28, $0x2;
	s28 =	sadd.s32 $0x40, s28;
	v4 =	vand.u32 $0xFFFFFF80, v2;
	v5 =	vshrl.u32 v2, $0x1;
	v6 =	vand.u32 $0x40, v6;
	v3 =	vld.idx.msk [tilespmem:v8+s13+$0x0], $0xffff;
	[tilespmem:s10+$0x3000] =	vst v9  }
0x38: {  	v7 =	vld [tilespmem:s11+$0x2000]  }
0x39: {  	v4 =	vor.u32 v4, v6;
	v5 =	vand.u32 $0x3F, v5  }
0x3a: {  	v4 =	vor.u32 v5, v4;
	_ =	sdelay $0x2  }
0x3b: {  	v61 =	vshll.u32 v7, $0x6  }
0x3c: {  	[tilespmem:s10+$0x4000] =	vst v3;
	v3 =	vand.u32 $0xFFFFFF80, v7;
	v62 =	vshrl.u32 v7, $0x1;
	v5 =	vand.u32 $0x40, v61  }
0x3d: {  	v4 =	vld.idx.msk [tilespmem:v4+s13+$0x0], $0xffff;
	v63 =	vand.u32 $0x3F, v62;
	v3 =	vor.u32 v3, v5  }
0x3e: {  	v3 =	vor.u32 v63, v3;
	_ =	sdelay $0x1  }
0x3f: {  	v2 =	vadd.s32 v1, v2  }
0x40: {  	[tilespmem:s9+$0x3000] =	vst v2  }
0x41: {  	[tilespmem:s9+$0x4000] =	vst v4  }
0x42: {  	v2 =	vld.idx.msk [tilespmem:v3+s13+$0x0], $0xffff;
	_ =	sdelay $0x2  }
0x43: {  	v1 =	vadd.s32 v1, v7  }
0x44: {  	[tilespmem:s11+$0x3000] =	vst v1  }
0x45: {  	s4 =	sadd.s32 s7, s4;
	s10 =	simm.s32 $0x0;
	[tilespmem:s11+$0x4000] =	vst v2  }
0x46: {  	[hbm4b:s4+s10] =	stream.linear.scatter [tilespmem:s15], [sflag:$0x5], $0x1000, $0x38;
	[tilespmem:$0x9000] =	vst v63  }
0x47: {  	_ =	swait.ge [sflag:s12], $0x1000  }
0x48: {  	[sflag:s12] =	ssyncset.done $0x0  }
0x49: {  	[sflag:s12] =	ssyncadd.s32 $0xFFFFF000  }
0x4a: {  	[tilespmem:s18], [sflag:$0x1] =	stream.indirect.gather [hbm4b:s1+s16], $0x40, s17, s16, $0xb8;
	[tilespmem:$0x9000] =	vst v63  }
0x4b: {  	_ = 	snop  }
0x4c: {  	[tilespmem:s20], [sflag:$0x2] =	stream.indirect.gather [hbm4b:s1+s16], $0x40, s19, s16, $0xb8;
	[tilespmem:$0x9000] =	vst v63  }
0x4d: {  	_ =	swait.ge [sflag:s21], $0x2000  }
0x4e: {  	s11 =	sshll.u32 s0, $0xF;
	[sflag:s21] =	ssyncset.done $0x0  }
0x4f: {  	s0 =	sadd.s32 s6, s11;
	[sflag:s21] =	ssyncadd.s32 $0xFFFFE000  }
0x50: {  	[hbm4b:s0+s10] =	stream.linear.scatter [tilespmem:s18], [sflag:$0x3], $0x2000, $0x38;
	[tilespmem:$0x9000] =	vst v63  }
0x51: {  	_ =	swait.ge [sflag:s22], $0x2000  }
0x52: {  	[sflag:s22] =	ssyncset.done $0x0  }
0x53: {  	[sflag:s22] =	ssyncadd.s32 $0xFFFFE000  }
0x54: {  	[tilespmem:s18], [sflag:$0x1] =	stream.indirect.gather [hbm4b:s1+s16], $0x40, s23, s16, $0xb8;
	[tilespmem:$0x9000] =	vst v63  }
0x55: {  	s4 =	sand.u32 $0x1FFF8000, s11;
	_ =	swait.ge [sflag:s24], $0x2000  }
0x56: {  	s4 =	sadd.s32 s4, s6;
	[sflag:s24] =	ssyncset.done $0x0  }
0x57: {  	s28 =	sadd.s32 $0x400, s4;
	[sflag:s24] =	ssyncadd.s32 $0xFFFFE000  }
0x58: {  	[hbm4b:s28+s10] =	stream.linear.scatter [tilespmem:s20], [sflag:$0x4], $0x2000, $0x38;
	[tilespmem:$0x9000] =	vst v63  }
0x59: {  	_ =	swait.ge [sflag:s25], $0x2000  }
0x5a: {  	[sflag:s25] =	ssyncset.done $0x0  }
0x5b: {  	s10 =	simm.s32 $0x3180;
	[sflag:s25] =	ssyncadd.s32 $0xFFFFE000  }
0x5c: {  	[tilespmem:s20], [sflag:$0x2] =	stream.indirect.gather [hbm4b:s1+s16], $0x40, s10, s16, $0xb8;
	[tilespmem:$0x9000] =	vst v63  }
0x5d: {  	_ =	swait.ge [sflag:s21], $0x2000  }
0x5e: {  	[sflag:s21] =	ssyncset.done $0x0  }
0x5f: {  	s11 =	sadd.s32 $0x0, s30;
	[sflag:s21] =	ssyncadd.s32 $0xFFFFE000  }
0x60: {  	[hbm4b:s11+s3] =	stream.linear.scatter [tilespmem:s18], [sflag:$0x3], $0x2000, $0x38;
	[tilespmem:$0x9000] =	vst v63  }
0x61: {  	_ =	swait.ge [sflag:s22], $0x2000  }
0x62: {  	[sflag:s22] =	ssyncset.done $0x0  }
0x63: {  	s28 =	simm.s32 $0x3200;
	[sflag:s22] =	ssyncadd.s32 $0xFFFFE000  }
0x64: {  	[tilespmem:s18], [sflag:$0x1] =	stream.indirect.gather [hbm4b:s1+s16], $0x40, s28, s16, $0xb8;
	[tilespmem:$0x9000] =	vst v63  }
0x65: {  	_ =	swait.ge [sflag:s24], $0x2000  }
0x66: {  	s9 =	simm.s32 $0x800;
	[sflag:s24] =	ssyncset.done $0x0  }
0x67: {  	s10 =	simm.s32 $0x3280;
	s11 =	sadd.s32 $0x0, s29;
	[sflag:s24] =	ssyncadd.s32 $0xFFFFE000  }
.LBB2_7:
0x68: {  	[hbm4b:s11+s3] =	stream.linear.scatter [tilespmem:s20], [sflag:$0x4], $0x2000, $0x38;
	[tilespmem:$0x9000] =	vst v63  }
0x69: {  	s11 =	smov.u32 s9  }
0x6a: {  	p0 =	sne.s32 s9, $0x6800;
	s9 =	sadd.s32 $0x800, s9;
	_ =	swait.ge [sflag:s25], $0x2000  }
0x6b: {  	[sflag:s25] =	ssyncset.done $0x0  }
0x6c: {  	[sflag:s25] =	ssyncadd.s32 $0xFFFFE000  }
0x6d: {  	[tilespmem:s20], [sflag:$0x2] =	stream.indirect.gather [hbm4b:s1+s16], $0x40, s10, s16, $0xb8;
	[tilespmem:$0x9000] =	vst v63  }
0x6e: {  	_ =	swait.ge [sflag:s21], $0x2000  }
0x6f: {  	[sflag:s21] =	ssyncset.done $0x0  }
0x70: {  	s28 =	sadd.s32 s11, s30;
	[sflag:s21] =	ssyncadd.s32 $0xFFFFE000  }
0x71: {  	[hbm4b:s28+s3] =	stream.linear.scatter [tilespmem:s18], [sflag:$0x3], $0x2000, $0x38;
	[tilespmem:$0x9000] =	vst v63  }
0x72: {  	_ =	swait.ge [sflag:s22], $0x2000  }
0x73: {  	[sflag:s22] =	ssyncset.done $0x0  }
.Ltmp2:
0x74: {  	s28 =	sadd.s32 $0x80, s10;
	[sflag:s22] =	ssyncadd.s32 $0xFFFFE000;
	(pc) =	sbr.rel @p0 .LBB2_7-.Ltmp2, $4  }
0x75: {  	[tilespmem:s18], [sflag:$0x1] =	stream.indirect.gather [hbm4b:s1+s16], $0x40, s28, s16, $0xb8;
	[tilespmem:$0x9000] =	vst v63  }
0x76: {  	_ =	swait.ge [sflag:s24], $0x2000  }
0x77: {  	[sflag:s24] =	ssyncset.done $0x0  }
0x78: {  	s11 =	sadd.s32 s11, s29;
	s10 =	sadd.s32 $0x100, s10;
	[sflag:s24] =	ssyncadd.s32 $0xFFFFE000  }
0x79: {  	[hbm4b:s11+s3] =	stream.linear.scatter [tilespmem:s20], [sflag:$0x4], $0x2000, $0x38;
	[tilespmem:$0x9000] =	vst v63  }
0x7a: {  	_ =	swait.ge [sflag:s25], $0x2000  }
0x7b: {  	[sflag:s25] =	ssyncset.done $0x0  }
0x7c: {  	[sflag:s25] =	ssyncadd.s32 $0xFFFFE000  }
0x7d: {  	[tilespmem:s20], [sflag:$0x2] =	stream.indirect.gather [hbm4b:s1+s16], $0x40, s26, s16, $0xb8;
	[tilespmem:$0x9000] =	vst v63  }
0x7e: {  	_ =	swait.ge [sflag:s21], $0x2000  }
0x7f: {  	[sflag:s21] =	ssyncset.done $0x0  }
0x80: {  	s0 =	sadd.s32 $0x7800, s0;
	[sflag:s21] =	ssyncadd.s32 $0xFFFFE000  }
0x81: {  	[hbm4b:s0+s3] =	stream.linear.scatter [tilespmem:s18], [sflag:$0x3], $0x2000, $0x38;
	[tilespmem:$0x9000] =	vst v63  }
0x82: {  	_ =	swait.ge [sflag:s24], $0x2000  }
0x83: {  	[sflag:s24] =	ssyncset.done $0x0  }
0x84: {  	s28 =	sadd.s32 $0x7C00, s4;
	s31 =	sadd.s32 $0x1, s31;
	[sflag:s24] =	ssyncadd.s32 $0xFFFFE000  }
0x85: {  	[hbm4b:s28+s3] =	stream.linear.scatter [tilespmem:s20], [sflag:$0x4], $0x2000, $0x38;
	[tilespmem:$0x9000] =	vst v63  }
0x86: {  	p0 =	sne.s32 s31, $0x4;
	_ =	swait.ge [sflag:s22], $0x2000  }
.Ltmp3:
0x87: {  	[sflag:s22] =	ssyncset.done $0x0;
	(pc) =	sbr.rel @p0 .LBB2_2-.Ltmp3, $4  }
0x88: {  	[sflag:s22] =	ssyncadd.s32 $0xFFFFE000  }
0x89: {  	_ =	swait.ge [sflag:s25], $0x2000  }
0x8a: {  	[sflag:s25] =	ssyncset.done $0x0  }
0x8b: {  	s30 =	sadd.s32 $0x8000, s30;
	s29 =	sadd.s32 $0x8000, s29;
	[sflag:s25] =	ssyncadd.s32 $0xFFFFE000  }
0x8c: {  	s4 =	rddreg [dreg:$0x6]  }
0x8d: {  	s0 =	rddreg [dreg:$0x3];
	s4 =	sadd.s32 $0x1, s4  }
0x8e: {  	p0 =	sne.s32 s4, s0  }
.Ltmp4:
0x8f: {  	_ = 	snop;
	(pc) =	sbr.rel @p0 .LBB2_1-.Ltmp4, $1  }
0x90: {  	_ =	sdelay $0x3  }
0x91: {  	_ =	sfence.sel $0x180000  }
0x92: {  	[bflag:$0x0] =	sbarrier.arrive $0xFFFF  }
0x93: {  	_ =	strace $0x9000004A  }
0x94: {  	s0 =	stileid.u32;
	[bflag:$0x2] =	sbarrier.arrive $0xFFFF  }
0x95: {  	p0 =	sne.s32 s0, $0x0;
	s0 =	rddreg [dreg:$0x2]  }
0x96: {  	s0 =	sadd.s32 @!p0 $0x100000, s0  }
0x97: {  	[sflag:s0] =	ssyncadd.tile.s32 @!p0 $0x1;
	_ =	shalt  }
.Lfunc_end2:
_tile_overlayer_lowered:
.L_overlay_start_2:
0x98: {  	(tag) =	ssettag $0x2  }
0x99: {  	s0 =	rddreg [dreg:$0x0];
	s2 =	stileid.u32  }
0x9a: {  	s1 =	rddreg [dreg:$0x1];
	p0 =	sne.s32 s2, $0x0  }
0x9b: {  	s3 =	rddreg [dreg:$0x2];
	[bflag:$0x3] =	sbarrier.arrive $0xFFFF;
	s2 =	simm.s32 @!p0 $0x1C05  }
0x9c: {  	[timem:s3], [sflag:s2] =	dma.local @!p0 [hbm:s0], s1  }
0x9d: {  	s0 =	simm.s32 @!p0 $0x5  }
0x9e: {  	_ =	swait.ge @!p0 [sflag:s0], s1  }
0x9f: {  	s1 =	ssub.s32 @!p0 $0x0, s1;
	[sflag:s0] =	ssyncset.done @!p0 $0x0  }
0xa0: {  	[sflag:s0] =	ssyncadd.s32 @!p0 s1  }
0xa1: {  	[bflag:$0x3] =	sbarrier.arrive $0xFFFF  }
0xa2: {  	_ =	shalt  }

// kernel: sparse-core-data-format-call.cloned.1.call-start
scs
called_computation_lowered:
.L_overlay_start_0:
0x0: {  	s2 =	sld [smem:$0x3FD9]  }
0x1: {  	s3 =	sld [smem:$0x3FFE];
	_ =	sdelay $0x1  }
0x2: {  	s1 =	srdreg.scid  }
0x3: {  	s0 =	sand.u32 $0x1, s1  }
0x4: {  	s18 =	sshll.u32 s0, $0xA;
	s2 =	sadd.s32 s3, s2  }
0x5: {  	s2 =	sadd.s32 s2, s18  }
0x6: {  	[smem:$0x3FC3] =	sst s2  }
0x7: {  	_ = 	snop  }
0x8: {  	s2 =	sld [smem:$0x3FD0];
	(tm) =	ssettm $0x1  }
0x9: {  	s19 =	sld [smem:$0x3FFB];
	_ =	sdelay $0x3  }
0xa: {  	_ =	strace s19  }
0xb: {  	s3 =	sld [smem:$0x3FFC];
	_ =	sdelay $0x3  }
0xc: {  	_ =	strace s3  }
0xd: {  	s3 =	sld [smem:$0x3FFD];
	_ =	sdelay $0x3  }
0xe: {  	_ =	strace s3  }
0xf: {  	_ =	strace $0x8FFFFFFF  }
0x10: {  	s20 =	sld [smem:$0x3FDB];
	_ =	sdelay $0x1  }
0x11: {  	s4 =	simm.s32 $_scs_section_size  }
0x12: {  	s5 =	simm.s32 $_size__tile_overlayer_lowered;
	s6 =	simm.s32 $_tile_overlayer_lowered  }
0x13: {  	s23 =	simm.s32 $0x1BFF;
	s22 =	sshll.u32 s6, $0x1;
	s3 =	sadd.s32 s4, s20  }
0x14: {  	s7 =	simm.s32 $0x0;
	s21 =	sshll.u32 s5, $0x1;
	s5 =	sadd.s32 s22, s3  }
0x15: {  	[timem:s7], [sflag:s23] =	dma.local [hbm:s5], s21  }
0x16: {  	_ =	swait.ge [sflag:s23], s21  }
0x17: {  	s4 =	ssub.s32 $0x0, s21;
	[sflag:s23] =	ssyncset.done $0x0  }
0x18: {  	[sflag:s23] =	ssyncadd.s32 s4;
	_ =	sdelay $0x1  }
0x19: {  	s24 =	simm.s32 $0x1B8B  }
0x1a: {  	_ =	swait.ge [sflag:s24], $0x1  }
0x1b: {  	[sflag:s24] =	ssyncset.done $0x0  }
0x1c: {  	s26 =	simm.s32 $0x1B8E;
	s25 =	sld [smem:$0x3FFE];
	[sflag:s24] =	ssyncadd.s32 $0xFFFFFFFF  }
0x1d: {  	s27 =	simm.s32 $execute0_lowered;
	[smem:$0x3FD2] =	sst s26  }
0x1e: {  	s5 =	sshll.u32 s27, $0x1;
	_ =	strace $0x8000004C;
	[dreg:$0x1] =	wrdreg $0xFFFFFFFF  }
0x1f: {  	s28 =	simm.s32 $_size_execute0_lowered;
	s3 =	sadd.s32 s3, s5;
	[dreg:$0x0] =	wrdreg $0x0  }
0x20: {  	s5 =	sshll.u32 s28, $0x1;
	[dreg:$0x2] =	wrdreg s3  }
0x21: {  	[dreg:$0x3] =	wrdreg s5  }
0x22: {  	[dreg:$0x4] =	wrdreg $0xC0  }
0x23: {  	_ =	task [dreg:s7], $0x5FFFF  }
0x24: {  	[dreg:$0x1] =	wrdreg $0xFFFFFFFF  }
0x25: {  	[dreg:$0x0] =	wrdreg $0x60  }
0x26: {  	[dreg:$0x2] =	wrdreg s25  }
0x27: {  	[dreg:$0x3] =	wrdreg s2  }
0x28: {  	[dreg:$0x4] =	wrdreg $0x9  }
0x29: {  	_ =	task.clear_ibuf [dreg:s7], $0x5FFFF;
	_ =	strace $0x9000004C  }
0x2a: {  	s29 =	simm.s32 $0x9;
	_ =	strace $0x8000004E  }
0x2b: {  	_ =	swait.ge [sflag:s29], $0x1  }
0x2c: {  	[sflag:s29] =	ssyncadd.s32 $0xFFFFFFFF  }
0x2d: {  	_ =	strace $0x9000004E  }
0x2e: {  	_ =	sfence  }
0x2f: {  	s30 =	sld [smem:$0x0];
	_ =	sdelay $0x2  }
0x30: {  	s31 =	sshll.u32 s1, $0xD;
	s1 =	sshrl.u32 s1, $0x2  }
0x31: {  	s3 =	sand.u32 $0x4000, s31;
	s1 =	sadd.s32 s1, s30  }
0x32: {  	s0 =	sor.u32 s3, s0;
	s1 =	sshll.u32 s1, $0x11  }
0x33: {  	s0 =	sor.u32 s1, s0  }
0x34: {  	s0 =	sadd.s32 $0x8F2B, s0  }
0x35: {  	[sflag:s0] =	ssyncadd.remote.s32 $0x1  }
0x36: {  	_ =	sfence.sel $0xFFFF  }
0x37: {  	[dreg:$0x0] =	wrdreg $0xFFFFFFFF;
	(pc) =	sbr.abs _section_cstart, $3  }
0x38: {  	[dreg:$0x1] =	wrdreg $0xFFFFFFFF  }
0x39: {  	_ =	task.clear_ibuf [dreg:s7], $0x2FFFF;
	_ =	strace $0x9FFFFFFF  }
0x3a: {  	(tm) =	ssettm $0x7FFFFFFF  }
0x3b: {  	_ =	shalt  }
tec
execute0_lowered:
.L_overlay_start_1:
0x0: {  	(tag) =	ssettag $0x1  }
0x1: {  	s2 =	rddreg [dreg:$0x0]  }
0x2: {  	s3 =	rddreg [dreg:$0x1];
	s1 =	stileid.u32  }
0x3: {  	s5 =	srdreg.scid;
	s0 =	rddreg [dreg:$0x2];
	_ =	strace $0x8000004D  }
0x4: {  	s9 =	simm.s32 $0x1;
	s31 =	simm.s32 $0x2;
	s14 =	simm.s32 $0x0  }
0x5: {  	s15 =	simm.s32 $0x0;
	s4 =	sshll.u32 s1, $0x1;
	s5 =	sshll.u32 s5, $0x7  }
0x6: {  	s13 =	simm.s32 $0x0;
	s5 =	sand.u32 $0x80, s5;
	s6 =	ssub.s32 $0x20, s4  }
0x7: {  	s7 =	sshrl.u32 s6, $0x5;
	s6 =	sand.u32 $0x1E, s6;
	s8 =	ssub.s32 $0x1000, s5  }
0x8: {  	p0 =	sne.s32 s6, $0x0;
	s30 =	sshrl.u32 s8, $0x7;
	s8 =	sshrl.u32 s8, $0x8  }
.Ltmp0:
0x9: {  	s9 =	simm.s32 @!p0 $0x0;
	s10 =	sand.u32 $0x1, s30;
	(pc) =	sbr.rel .LBB1_1-.Ltmp0, $4  }
0xa: {  	s6 =	simm.s32 $0x1;
	s7 =	sadd.s32 s9, s7;
	s8 =	sadd.s32 s8, s10  }
0xb: {  	s12 =	smov.u32 s4;
	[sflag:s6] =	ssyncpa.u1 $0x0;
	s7 =	smul.u32 s7, s8  }
0xc: {  	s11 =	smov.u32 s5;
	p0 =	por $0x0, $0x0;
	[sflag:s31] =	ssyncpa.u1 $0x0  }
0xd: {  	s10 =	simm.s32 $0x8000;
	s8 =	sadd.s32 $0x10000, s2;
	s9 =	sadd.s32 $0x1, s7  }
.LBB1_7:
0xe: {  	s16 =	sadd.s32 $0x100, s11  }
0xf: {  	s14 =	sadd.s32 $0x20, s12;
	s18 =	smov.u32 s12;
	p2 =	sgt.s32 s16, $0xFFF  }
0x10: {  	s18 =	smov.u32 @p2 s14  }
0x11: {  	s16 =	smov.u32 @p2 s5;
	p2 =	sgt.s32 s18, $0x1F  }
0x12: {  	s18 =	smov.u32 @p2 s4;
	p2 =	sne.s32 s13, s9  }
.Ltmp1:
0x13: {  	p1 =	slt.u32 s13, $0x2;
	(pc) =	sbr.rel @!p2 .LBB1_8-.Ltmp1, $4  }
0x14: {  	s17 =	simm.s32 @!p1 $0x2  }
0x15: {  	s15 =	smov.u32 s12;
	p0 =	por !p0, !p0;
	_ =	swait.ge @!p1 [sflag:s17], $0x4000  }
0x16: {  	s14 =	smov.u32 s11;
	[sflag:s17] =	ssyncset.done @!p1 $0x0;
	s11 =	smov.u32 s16  }
0x17: {  	s13 =	sadd.s32 $0x1, s13;
	[sflag:s17] =	ssyncadd.s32 @!p1 $0xFFFFC000;
	s12 =	smov.u32 s18  }
.LBB1_1:
0x18: {  	p1 =	sge.u32 s13, s7  }
0x19: {  	s16 =	sxor.u32 @!p1 $0xFFFFFFFF, s13;
	s17 =	sshll.u32 @!p1 s12, $0x10  }
0x1a: {  	s18 =	sshll.u32 @!p1 s11, $0x4;
	s20 =	simm.s32 @!p1 $0x40;
	s21 =	simm.s32 @!p1 $0x80  }
0x1b: {  	s16 =	sshll.u32 @!p1 s16, $0xE;
	s18 =	sand.u32 @!p1 $0xFFF0, s18;
	s19 =	sadd.s32 @!p1 s2, s17  }
0x1c: {  	s17 =	sadd.s32 @!p1 s17, s8;
	s16 =	sand.u32 @!p1 $0x4000, s16;
	s19 =	sadd.s32 @!p1 s18, s19  }
0x1d: {  	[tilespmem:s16], [sflag:$0x1] =	stream.strided.gather @!p1 [hbm4b:s19+s20], $0x2000, s21, s20, $0x38;
	[tilespmem:$0x10100] =	vst v63  }
0x1e: {  	s31 =	sadd.s32 $0xFFFFFFFF, s13;
	s17 =	sadd.s32 @!p1 s18, s17;
	s16 =	sor.u32 @!p1 $0x2000, s16  }
0x1f: {  	[tilespmem:s16], [sflag:$0x1] =	stream.strided.gather @!p1 [hbm4b:s17+s20], $0x2000, s21, s20, $0x38;
	[tilespmem:$0x10100] =	vst v63  }
0x20: {  	p1 =	sge.u32 s31, s7  }
.Ltmp2:
0x21: {  	_ = 	snop;
	(pc) =	sbr.rel @p1 .LBB1_7-.Ltmp2, $1  }
0x22: {  	_ =	sdelay $0x3  }
0x23: {  	s16 =	simm.s32 $0x1;
	s18 =	sand.u32 $0x1, s13  }
0x24: {  	_ =	swait.ge [sflag:s6], $0x4000;
	s16 =	simm.s32 @!p0 $0x0;
	s18 =	smul.u32 $0x10200, s18  }
0x25: {  	p2 =	por $0x1, $0x1;
	[sflag:s6] =	ssyncset.done $0x0;
	s17 =	smul.u32 $0x10200, s16  }
0x26: {  	s19 =	sshll.u32 s16, $0x10;
	[sflag:s6] =	ssyncadd.s32 $0xFFFFC000;
	s30 =	sshrl.u32 s18, $0x2  }
0x27: {  	s31 =	sshrl.u32 s19, $0x2;
	s19 =	simm.s32 $0x0;
	s17 =	sshrl.u32 s17, $0x2  }
0x28: {  	s16 =	sor.u32 $0x8000, s30;
	s18 =	sadd.s32 $0x20, s31;
	s17 =	sor.u32 $0x8000, s17  }
.LBB1_3:
0x29: {  	s20 =	sshll.u32 s19, $0xD  }
0x2a: {  	s20 =	sand.u32 $0x3FFFE000, s20  }
0x2b: {  	s22 =	sadd.s32 s20, s18  }
0x2c: {  	s31 =	smul.u32 $0x8100, s19;
	v3 =	vld [tilespmem:s22+$0x10]  }
0x2d: {  	v1 =	vld [tilespmem:s22+$0xFFFFFFF0]  }
0x2e: {  	s19 =	sshra.s32 s31, $0x2;
	v0 =	vld [tilespmem:s22+$0x0]  }
0x2f: {  	s19 =	sadd.s32 s19, s17;
	v2 =	vld [tilespmem:s22+$0xFFFFFFE0]  }
0x30: {  	s20 =	sadd.s32 $0x0, s19  }
0x31: {  	p1 =	por p2, p2;
	s21 =	simm.s32 $0x4;
	s22 =	sadd.s32 $0x40, s22;
	[tilespmem:s20+$0x1830 ss:$0x81] =	vst.msk $0xffff, v3  }
.LBB1_4:
0x32: {  	v3 =	vld [tilespmem:s22+$0x10];
	p2 =	sne.s32 s21, $0x1FC;
	[tilespmem:s20+$0x810 ss:$0x81] =	vst.msk $0xffff, v1;
	s23 =	smov.u32 s21;
	s21 =	sadd.s32 $0x4, s21  }
.Ltmp3:
0x33: {  	v1 =	vld [tilespmem:s22+$0xFFFFFFF0];
	[tilespmem:s20+$0x1020 ss:$0x81] =	vst.msk $0xffff, v0;
	(pc) =	sbr.rel @p2 .LBB1_4-.Ltmp3, $4  }
0x34: {  	v0 =	vld [tilespmem:s22+$0x0];
	[tilespmem:s20+$0x0 ss:$0x81] =	vst.msk $0xffff, v2  }
0x35: {  	s20 =	sshra.s32 s23, $0x2;
	v2 =	vld [tilespmem:s22+$0xFFFFFFE0]  }
0x36: {  	s20 =	sadd.s32 s20, s19  }
0x37: {  	s22 =	sadd.s32 $0x40, s22;
	[tilespmem:s20+$0x1830 ss:$0x81] =	vst.msk $0xffff, v3  }
.Ltmp4:
0x38: {  	(pc) =	sbr.rel @p1 .LBB1_3-.Ltmp4, $4  }
0x39: {  	_ = 	snop  }
0x3a: {  	[tilespmem:s20+$0x810 ss:$0x81] =	vst.msk $0xffff, v1  }
0x3b: {  	[tilespmem:s20+$0x1020 ss:$0x81] =	vst.msk $0xffff, v0  }
0x3c: {  	s19 =	simm.s32 $0x1;
	p2 =	por $0x0, $0x0;
	[tilespmem:s20+$0x0 ss:$0x81] =	vst.msk $0xffff, v2  }
0x3d: {  	s17 =	sshll.u32 s14, $0x3;
	s18 =	sand.u32 $0x78, s14;
	s15 =	sshll.u32 s15, $0xF  }
.Ltmp5:
0x3e: {  	s30 =	sand.u32 $0x7E00, s14;
	s17 =	sand.u32 $0xC00, s17;
	(pc) =	sbr.rel .LBB1_7-.Ltmp5, $4  }
0x3f: {  	s31 =	sand.u32 $0x7, s14;
	s15 =	sadd.s32 s3, s15;
	s17 =	sor.u32 s18, s17  }
0x40: {  	s14 =	sshll.u32 s31, $0x12;
	s15 =	sadd.s32 s30, s15;
	s17 =	sshrl.u32 s17, $0x3  }
0x41: {  	s14 =	sor.u32 $0x400, s14;
	s15 =	sadd.s32 s17, s15  }
0x42: {  	[hbm4b:s15+s14] =	stream.strided.scatter [tilespmem:s16], [sflag:$0x2], $0x4000, s10, s14, $0x20;
	[tilespmem:$0x10100] =	vst v63  }
.LBB1_8:
0x43: {  	_ =	sfence.sel $0x180000  }
0x44: {  	s2 =	simm.s32 $0x1;
	[bflag:$0x0] =	sbarrier.arrive $0xFFFF  }
0x45: {  	s31 =	simm.s32 $0x2;
	[sflag:s2] =	ssyncpa.u1 $0x1  }
0x46: {  	[sflag:s31] =	ssyncpa.u1 $0x1  }
0x47: {  	p0 =	sne.s32 s1, $0x0;
	_ =	strace $0x9000004D  }
0x48: {  	s0 =	sadd.s32 @!p0 $0x100000, s0;
	[bflag:$0x2] =	sbarrier.arrive $0xFFFF  }
0x49: {  	[sflag:s0] =	ssyncadd.tile.s32 @!p0 $0x1;
	_ =	shalt  }
.Lfunc_end1:
_tile_overlayer_lowered:
.L_overlay_start_2:
0x4a: {  	(tag) =	ssettag $0x2  }
0x4b: {  	s0 =	rddreg [dreg:$0x0];
	s2 =	stileid.u32  }
0x4c: {  	s1 =	rddreg [dreg:$0x1];
	p0 =	sne.s32 s2, $0x0  }
0x4d: {  	s3 =	rddreg [dreg:$0x2];
	[bflag:$0x3] =	sbarrier.arrive $0xFFFF;
	s2 =	simm.s32 @!p0 $0x1C01  }
0x4e: {  	[timem:s3], [sflag:s2] =	dma.local @!p0 [hbm:s0], s1  }
0x4f: {  	s0 =	simm.s32 @!p0 $0x1  }
0x50: {  	_ =	swait.ge @!p0 [sflag:s0], s1  }
0x51: {  	s1 =	ssub.s32 @!p0 $0x0, s1;
	[sflag:s0] =	ssyncset.done @!p0 $0x0  }
0x52: {  	[sflag:s0] =	ssyncadd.s32 @!p0 s1  }
0x53: {  	[bflag:$0x3] =	sbarrier.arrive $0xFFFF  }
0x54: {  	_ =	shalt  }

</sc_bundles>
